<compile_context>
chip_gen: v7x
topology: tpu7x:2x2x1
jax: 0.10.2.dev20260603
libtpu: 0.0.44.dev20260713+nightly
codegen_flags: <defaults>
</compile_context>

<pallas_src>
import functools

import jax
import jax.numpy as jnp
from jax import lax
from jax.experimental import pallas as pl
from jax.experimental.pallas import tpu as pltpu
from jax.experimental.pallas import tpu_sc as plsc

D = 32
NB = 16384
NJ = 50
NC = 2
NS = 16
NW = NC * NS
BW = NB // NW
NVREG = BW * D // 16

_mesh = plsc.VectorSubcoreMesh(core_axis_name="c", subcore_axis_name="s")


@functools.partial(
    pl.kernel,
    out_type=[
        jax.ShapeDtypeStruct((NJ, D, NB), jnp.float32),
        jax.ShapeDtypeStruct((NW, 16), jnp.float32),
    ],
    mesh=_mesh,
    compiler_params=pltpu.CompilerParams(
        use_tc_tiling_on_sc=False, needs_layout_passes=False),
    scratch_types=[
        pltpu.VMEM((NJ, BW), jnp.int32),
        pltpu.VMEM((2, BW, D), jnp.float32),
        pltpu.VMEM((2, D, BW + 1), jnp.float32),
        pltpu.VMEM((16,), jnp.float32),
        pltpu.SemaphoreType.DMA,
        pltpu.SemaphoreType.DMA,
        pltpu.SemaphoreType.DMA,
        pltpu.SemaphoreType.DMA,
    ],
)
def _embedding_gather(table_hbm, idx_hbm, out_hbm, psum_hbm,
                      idx_v, rows_v, trans_v, acc_v,
                      gsem0, gsem1, ssem0, ssem1):
    wid = lax.axis_index("s") * NC + lax.axis_index("c")
    b_base = wid * BW

    pltpu.sync_copy(idx_hbm.at[:, pl.ds(b_base, BW)], idx_v)

    gsems = (gsem0, gsem1)
    ssems = (ssem0, ssem1)
    iota16 = lax.iota(jnp.int32, 16)
    zeros_i = jnp.zeros((16,), jnp.int32)
    zeros_f = jnp.zeros((16,), jnp.float32)

    def gather_start(j, b):
        return pltpu.async_copy(
            table_hbm.at[idx_v.at[j]], rows_v.at[b], gsems[b])

    def gather_wait(b):
        pltpu.make_async_copy(
            table_hbm.at[pl.ds(0, BW)], rows_v.at[b], gsems[b]).wait()

    def store_start(j, b):
        return pltpu.async_copy(
            trans_v.at[b, :, pl.ds(0, BW)],
            out_hbm.at[j, :, pl.ds(b_base, BW)], ssems[b])

    def store_wait(b):
        pltpu.make_async_copy(
            trans_v.at[b, :, pl.ds(0, BW)],
            out_hbm.at[0, :, pl.ds(b_base, BW)], ssems[b]).wait()

    bvec = (jnp.full((16,), 0, jnp.int32), jnp.full((16,), 1, jnp.int32))
    iota_hi = iota16 + 16

    def transpose_acc(b, accs):
        @plsc.parallel_loop(0, BW, step=1, unroll=8, carry=accs)
        def new_accs(r, c):
            a0, a1 = c
            rvec = zeros_i + r
            v0 = rows_v[b, r, pl.ds(0, 16)]
            v1 = rows_v[b, r, pl.ds(16, 16)]
            plsc.store_scatter(trans_v, [bvec[b], iota16, rvec], v0)
            plsc.store_scatter(trans_v, [bvec[b], iota_hi, rvec], v1)
            a0 = a0 + v0
            a1 = a1 + v1
            return (a0, a1)
        return new_accs

    accs = (zeros_f, zeros_f)

    gather_start(0, 0)
    gather_wait(0)
    gather_start(1, 1)
    accs = transpose_acc(0, accs)
    store_start(0, 0)
    gather_wait(1)
    gather_start(2, 0)
    accs = transpose_acc(1, accs)
    store_start(1, 1)
    gather_wait(0)
    gather_start(3, 1)
    store_wait(0)
    accs = transpose_acc(0, accs)
    store_start(2, 0)

    def steady(t, accs):
        for k in range(2):
            j = 3 + t * 2 + k
            b = 1 - k
            gather_wait(b)
            gather_start(j + 1, 1 - b)
            store_wait(b)
            accs = transpose_acc(b, accs)
            store_start(j, b)
        return accs
    accs = lax.fori_loop(0, (NJ - 4) // 2, steady, accs)

    gather_wait(1)
    store_wait(1)
    accs = transpose_acc(1, accs)
    store_start(NJ - 1, 1)

    store_wait(0)
    store_wait(1)
    acc_v[...] = accs[0] + accs[1]
    pltpu.sync_copy(acc_v, psum_hbm.at[wid])


def kernel(table, x):
    idx = x.T.astype(jnp.int32)
    out_jcb, psum = _embedding_gather(table, idx)
    loss = jnp.sum(psum)
    return (loss, out_jcb.transpose(2, 0, 1))

# --- scband reference (transcript-rebuilt; emitter-appended) ---
"""Pipeline reference for scband-embedding-test-module-38311108280522 (READ-ONLY COPY).

The authoritative reference and input builder live on the scoring server;
editing this copy changes nothing except your own understanding.
"""

import jax, jax.numpy as jnp
import numpy as np

NUM_EMBEDDINGS = 1000000
EMBEDDING_DIM = 32
PADDING_IDX = 0

def setup_inputs(seed: int = 0) -> dict:
    key = jax.random.key(seed)
    k_table, k_idx = jax.random.split(key)
    table = jax.random.normal(k_table, (NUM_EMBEDDINGS, EMBEDDING_DIM), dtype=jnp.float32)
    # nn.Embedding with padding_idx zero-initializes that row
    table = table.at[PADDING_IDX].set(0.0)
    x = jax.random.randint(k_idx, (16384, 50), 0, NUM_EMBEDDINGS, dtype=jnp.int64)
    return {"table": table, "x": x}

def reference(table, x):
    # Embedding lookup (gather)
    output_embeddings = jnp.take(table, x, axis=0)
    loss = output_embeddings.sum()
    return (loss, output_embeddings)

if __name__ == "__main__":
    import jax
    _d = setup_inputs()
    print(jax.jit(kernel)(*tuple(_d.values())))

</pallas_src>

<mosaic_0001>
#map = affine_map<(d0, d1) -> (0, 0)>
#map1 = affine_map<(d0, d1) -> (0, 0, 0)>
module attributes {stable_mosaic.version = 14 : i64} {
  func.func @_embedding_gather(%arg0: i32, %arg1: i32, %arg2: memref<1000000x32xf32, #tpu.memory_space<hbm>>, %arg3: memref<50x16384xi32, #tpu.memory_space<hbm>>, %arg4: memref<50x32x16384xf32, #tpu.memory_space<hbm>>, %arg5: memref<32x16xf32, #tpu.memory_space<hbm>>, %arg6: memref<50x512xi32, #tpu.memory_space<vmem>>, %arg7: memref<2x512x32xf32, #tpu.memory_space<vmem>>, %arg8: memref<2x32x513xf32, #tpu.memory_space<vmem>>, %arg9: memref<16xf32, #tpu.memory_space<vmem>>, %arg10: memref<!tpu.dma_semaphore, #tpu.memory_space<semaphore_mem>>, %arg11: memref<!tpu.dma_semaphore, #tpu.memory_space<semaphore_mem>>, %arg12: memref<!tpu.dma_semaphore, #tpu.memory_space<semaphore_mem>>, %arg13: memref<!tpu.dma_semaphore, #tpu.memory_space<semaphore_mem>>) attributes {dimension_semantics = [#tpu.dimension_semantics<core_parallel>, #tpu.dimension_semantics<subcore_parallel>], iteration_bounds = array<i64: 2, 16>, scalar_prefetch = 0 : i64, scratch_operands = 8 : i64, tpu.core_type = #tpu.core_type<sc_vector_subcore>, window_params = [{transform_indices = #map}, {transform_indices = #map}, {transform_indices = #map1}, {transform_indices = #map}]} {
    %mul3A = arith.constant 2 : i32
    %mul3A_0 = arith.muli %arg1, %mul3A : i32
    %add3A = arith.addi %mul3A_0, %arg0 : i32
    %mul3A_1 = arith.constant 512 : i32
    %mul3A_2 = arith.muli %add3A, %mul3A_1 : i32
    "tpu.region"() ({
      %run_scoped3A = tpu.sem_alloc : memref<!tpu.dma_semaphore, #tpu.memory_space<semaphore_mem>>
      %dma_start3A_269 = arith.constant 0 : i32
      %dma_start3A_270 = tpu.memref_slice %arg3[%dma_start3A_269, %mul3A_2] : memref<50x16384xi32, #tpu.memory_space<hbm>> -> memref<50x512xi32, #tpu.memory_space<hbm>>
      %dma_start3A_271 = arith.constant 0 : i32
      %dma_start3A_272 = tpu.memref_slice %arg3[%dma_start3A_271, %mul3A_2] : memref<50x16384xi32, #tpu.memory_space<hbm>> -> memref<50x512xi32, #tpu.memory_space<hbm>>
      tpu.enqueue_dma source(%dma_start3A_272 : memref<50x512xi32, #tpu.memory_space<hbm>>) target(%arg6 : memref<50x512xi32, #tpu.memory_space<vmem>>) target_semaphore(%run_scoped3A : memref<!tpu.dma_semaphore, #tpu.memory_space<semaphore_mem>>)
      %dma_wait3A_273 = arith.constant 0 : i32
      %dma_wait3A_274 = tpu.memref_slice %arg3[%dma_wait3A_273, %mul3A_2] : memref<50x16384xi32, #tpu.memory_space<hbm>> -> memref<50x512xi32, #tpu.memory_space<hbm>>
      %dma_wait3A_275 = arith.constant 0 : i32
      %dma_wait3A_276 = tpu.memref_slice %arg3[%dma_wait3A_275, %mul3A_2] : memref<50x16384xi32, #tpu.memory_space<hbm>> -> memref<50x512xi32, #tpu.memory_space<hbm>>
      tpu.wait_dma2 semaphore(%run_scoped3A : memref<!tpu.dma_semaphore, #tpu.memory_space<semaphore_mem>>) src(%dma_wait3A_276 : memref<50x512xi32, #tpu.memory_space<hbm>>) dst(%arg6 : memref<50x512xi32, #tpu.memory_space<vmem>>)
      tpu.yield
    }) : () -> ()
    %iota3A = tpu.iota {dimensions = array<i32: 0>} : vector<16xi32>
    %broadcast_in_dim3A = arith.constant 0 : i32
    %broadcast_in_dim3A_3 = vector.broadcast %broadcast_in_dim3A : i32 to vector<16xi32>
    %broadcast_in_dim3A_4 = arith.constant 0.000000e+00 : f32
    %broadcast_in_dim3A_5 = vector.broadcast %broadcast_in_dim3A_4 : f32 to vector<16xf32>
    %broadcast_in_dim3A_6 = arith.constant 0 : i32
    %broadcast_in_dim3A_7 = vector.broadcast %broadcast_in_dim3A_6 : i32 to vector<16xi32>
    %broadcast_in_dim3A_8 = arith.constant 1 : i32
    %broadcast_in_dim3A_9 = vector.broadcast %broadcast_in_dim3A_8 : i32 to vector<16xi32>
    %add3A_10 = arith.constant 16 : i32
    %add3A_11 = vector.broadcast %add3A_10 : i32 to vector<16xi32>
    %add3A_12 = arith.addi %iota3A, %add3A_11 : vector<16xi32>
    %dma_start3A = arith.constant 0 : i32
    %dma_start3A_13 = arith.constant 0 : i32
    %dma_start3A_14 = arith.constant 0 : i32
    %dma_start3A_15 = arith.constant 0 : i32
    %dma_start3A_16 = tpu.memref_slice %arg7[%dma_start3A_13, %dma_start3A_14, %dma_start3A_15] : memref<2x512x32xf32, #tpu.memory_space<vmem>> -> memref<1x512x32xf32, #tpu.memory_space<vmem>>
    %dma_start3A_17 = tpu.memref_squeeze %dma_start3A_16 : memref<1x512x32xf32, #tpu.memory_space<vmem>> -> memref<512x32xf32, #tpu.memory_space<vmem>>
    %dma_start3A_18 = arith.constant 0 : i32
    %dma_start3A_19 = tpu.memref_slice %arg6[%dma_start3A, %dma_start3A_18] : memref<50x512xi32, #tpu.memory_space<vmem>> -> memref<1x512xi32, #tpu.memory_space<vmem>>
    %dma_start3A_20 = tpu.memref_squeeze %dma_start3A_19 : memref<1x512xi32, #tpu.memory_space<vmem>> -> memref<512xi32, #tpu.memory_space<vmem>>
    %dma_start3A_21 = arith.constant 0 : i32
    %dma_start3A_22 = arith.constant 0 : i32
    %dma_start3A_23 = tpu.memref_slice %arg2[%dma_start3A_21, %dma_start3A_22] : memref<1000000x32xf32, #tpu.memory_space<hbm>> -> memref<1000000x32xf32, #tpu.memory_space<hbm>>
    tpu.enqueue_indirect_dma source(%dma_start3A_23 : memref<1000000x32xf32, #tpu.memory_space<hbm>>) target(%dma_start3A_17 : memref<512x32xf32, #tpu.memory_space<vmem>>) offsets(%dma_start3A_20 : memref<512xi32, #tpu.memory_space<vmem>>) semaphore(%arg10 : memref<!tpu.dma_semaphore, #tpu.memory_space<semaphore_mem>>)
    %dma_wait3A = arith.constant 0 : i32
    %dma_wait3A_24 = arith.constant 0 : i32
    %dma_wait3A_25 = arith.constant 0 : i32
    %dma_wait3A_26 = tpu.memref_slice %arg7[%dma_wait3A, %dma_wait3A_24, %dma_wait3A_25] : memref<2x512x32xf32, #tpu.memory_space<vmem>> -> memref<1x512x32xf32, #tpu.memory_space<vmem>>
    %dma_wait3A_27 = tpu.memref_squeeze %dma_wait3A_26 : memref<1x512x32xf32, #tpu.memory_space<vmem>> -> memref<512x32xf32, #tpu.memory_space<vmem>>
    %dma_wait3A_28 = arith.constant 0 : i32
    %dma_wait3A_29 = arith.constant 0 : i32
    %dma_wait3A_30 = tpu.memref_slice %arg2[%dma_wait3A_28, %dma_wait3A_29] : memref<1000000x32xf32, #tpu.memory_space<hbm>> -> memref<512x32xf32, #tpu.memory_space<hbm>>
    %dma_wait3A_31 = arith.constant 0 : i32
    %dma_wait3A_32 = arith.constant 0 : i32
    %dma_wait3A_33 = tpu.memref_slice %arg7[%dma_wait3A, %dma_wait3A_31, %dma_wait3A_32] : memref<2x512x32xf32, #tpu.memory_space<vmem>> -> memref<1x512x32xf32, #tpu.memory_space<vmem>>
    %dma_wait3A_34 = tpu.memref_squeeze %dma_wait3A_33 : memref<1x512x32xf32, #tpu.memory_space<vmem>> -> memref<512x32xf32, #tpu.memory_space<vmem>>
    %dma_wait3A_35 = arith.constant 0 : i32
    %dma_wait3A_36 = arith.constant 0 : i32
    %dma_wait3A_37 = tpu.memref_slice %arg2[%dma_wait3A_35, %dma_wait3A_36] : memref<1000000x32xf32, #tpu.memory_space<hbm>> -> memref<512x32xf32, #tpu.memory_space<hbm>>
    tpu.wait_dma2 semaphore(%arg10 : memref<!tpu.dma_semaphore, #tpu.memory_space<semaphore_mem>>) src(%dma_wait3A_37 : memref<512x32xf32, #tpu.memory_space<hbm>>) dst(%dma_wait3A_34 : memref<512x32xf32, #tpu.memory_space<vmem>>)
    %dma_start3A_38 = arith.constant 1 : i32
    %dma_start3A_39 = arith.constant 1 : i32
    %dma_start3A_40 = arith.constant 0 : i32
    %dma_start3A_41 = arith.constant 0 : i32
    %dma_start3A_42 = tpu.memref_slice %arg7[%dma_start3A_39, %dma_start3A_40, %dma_start3A_41] : memref<2x512x32xf32, #tpu.memory_space<vmem>> -> memref<1x512x32xf32, #tpu.memory_space<vmem>>
    %dma_start3A_43 = tpu.memref_squeeze %dma_start3A_42 : memref<1x512x32xf32, #tpu.memory_space<vmem>> -> memref<512x32xf32, #tpu.memory_space<vmem>>
    %dma_start3A_44 = arith.constant 0 : i32
    %dma_start3A_45 = tpu.memref_slice %arg6[%dma_start3A_38, %dma_start3A_44] : memref<50x512xi32, #tpu.memory_space<vmem>> -> memref<1x512xi32, #tpu.memory_space<vmem>>
    %dma_start3A_46 = tpu.memref_squeeze %dma_start3A_45 : memref<1x512xi32, #tpu.memory_space<vmem>> -> memref<512xi32, #tpu.memory_space<vmem>>
    %dma_start3A_47 = arith.constant 0 : i32
    %dma_start3A_48 = arith.constant 0 : i32
    %dma_start3A_49 = tpu.memref_slice %arg2[%dma_start3A_47, %dma_start3A_48] : memref<1000000x32xf32, #tpu.memory_space<hbm>> -> memref<1000000x32xf32, #tpu.memory_space<hbm>>
    tpu.enqueue_indirect_dma source(%dma_start3A_49 : memref<1000000x32xf32, #tpu.memory_space<hbm>>) target(%dma_start3A_43 : memref<512x32xf32, #tpu.memory_space<vmem>>) offsets(%dma_start3A_46 : memref<512xi32, #tpu.memory_space<vmem>>) semaphore(%arg11 : memref<!tpu.dma_semaphore, #tpu.memory_space<semaphore_mem>>)
    %parallel_loop3A = arith.constant 0 : i32
    %parallel_loop3A_50 = arith.constant 512 : i32
    %parallel_loop3A_51 = arith.constant 1 : i32
    %parallel_loop3A_52:2 = scf.for %parallel_loop3A_269 = %parallel_loop3A to %parallel_loop3A_50 step %parallel_loop3A_51 iter_args(%parallel_loop3A_270 = %broadcast_in_dim3A_5, %parallel_loop3A_271 = %broadcast_in_dim3A_5) -> (vector<16xf32>, vector<16xf32>)  : i32 {
      %parallel_loop3A_272 = vector.broadcast %parallel_loop3A_269 : i32 to vector<16xi32>
      %parallel_loop3A_273 = arith.addi %broadcast_in_dim3A_3, %parallel_loop3A_272 : vector<16xi32>
      %parallel_loop3A_274 = arith.constant 0 : i32
      %parallel_loop3A_275 = arith.index_cast %parallel_loop3A_274 : i32 to index
      %parallel_loop3A_276 = arith.index_cast %parallel_loop3A_269 : i32 to index
      %parallel_loop3A_277 = arith.constant 0 : index
      %parallel_loop3A_278 = tpu.vector_load %arg7[%parallel_loop3A_275, %parallel_loop3A_276, %parallel_loop3A_277] {strides = array<i32>} : memref<2x512x32xf32, #tpu.memory_space<vmem>>, vector<16xf32>,
      %parallel_loop3A_279 = arith.constant 0 : i32
      %parallel_loop3A_280 = arith.index_cast %parallel_loop3A_279 : i32 to index
      %parallel_loop3A_281 = arith.index_cast %parallel_loop3A_269 : i32 to index
      %parallel_loop3A_282 = arith.constant 16 : index
      %parallel_loop3A_283 = tpu.vector_load %arg7[%parallel_loop3A_280, %parallel_loop3A_281, %parallel_loop3A_282] {strides = array<i32>} : memref<2x512x32xf32, #tpu.memory_space<vmem>>, vector<16xf32>,
      tpu.vector_store_idx %arg8[%broadcast_in_dim3A_7, %iota3A, %parallel_loop3A_273], %parallel_loop3A_278 : memref<2x32x513xf32, #tpu.memory_space<vmem>>[vector<16xi32>, vector<16xi32>, vector<16xi32>], vector<16xf32>,
      tpu.vector_store_idx %arg8[%broadcast_in_dim3A_7, %add3A_12, %parallel_loop3A_273], %parallel_loop3A_283 : memref<2x32x513xf32, #tpu.memory_space<vmem>>[vector<16xi32>, vector<16xi32>, vector<16xi32>], vector<16xf32>,
      %parallel_loop3A_284 = arith.addf %parallel_loop3A_270, %parallel_loop3A_278 : vector<16xf32>
      %parallel_loop3A_285 = arith.addf %parallel_loop3A_271, %parallel_loop3A_283 : vector<16xf32>
      scf.yield %parallel_loop3A_284, %parallel_loop3A_285 : vector<16xf32>, vector<16xf32>
    } {sc.loop_unroll_factor = 8 : i64, sc.parallel_access}
    %dma_start3A_53 = arith.constant 0 : i32
    %dma_start3A_54 = arith.constant 0 : i32
    %dma_start3A_55 = arith.constant 0 : i32
    %dma_start3A_56 = arith.constant 0 : i32
    %dma_start3A_57 = tpu.memref_slice %arg8[%dma_start3A_53, %dma_start3A_55, %dma_start3A_56] : memref<2x32x513xf32, #tpu.memory_space<vmem>> -> memref<1x32x512xf32, #tpu.memory_space<vmem>>
    %dma_start3A_58 = tpu.memref_squeeze %dma_start3A_57 : memref<1x32x512xf32, #tpu.memory_space<vmem>> -> memref<32x512xf32, #tpu.memory_space<vmem>>
    %dma_start3A_59 = arith.constant 0 : i32
    %dma_start3A_60 = tpu.memref_slice %arg4[%dma_start3A_54, %dma_start3A_59, %mul3A_2] : memref<50x32x16384xf32, #tpu.memory_space<hbm>> -> memref<1x32x512xf32, #tpu.memory_space<hbm>>
    %dma_start3A_61 = tpu.memref_squeeze %dma_start3A_60 : memref<1x32x512xf32, #tpu.memory_space<hbm>> -> memref<32x512xf32, #tpu.memory_space<hbm>>
    %dma_start3A_62 = arith.constant 0 : i32
    %dma_start3A_63 = tpu.memref_slice %arg4[%dma_start3A_54, %dma_start3A_62, %mul3A_2] : memref<50x32x16384xf32, #tpu.memory_space<hbm>> -> memref<1x32x512xf32, #tpu.memory_space<hbm>>
    %dma_start3A_64 = tpu.memref_squeeze %dma_start3A_63 : memref<1x32x512xf32, #tpu.memory_space<hbm>> -> memref<32x512xf32, #tpu.memory_space<hbm>>
    %dma_start3A_65 = arith.constant 0 : i32
    %dma_start3A_66 = arith.constant 0 : i32
    %dma_start3A_67 = tpu.memref_slice %arg8[%dma_start3A_53, %dma_start3A_65, %dma_start3A_66] : memref<2x32x513xf32, #tpu.memory_space<vmem>> -> memref<1x32x512xf32, #tpu.memory_space<vmem>>
    %dma_start3A_68 = tpu.memref_squeeze %dma_start3A_67 : memref<1x32x512xf32, #tpu.memory_space<vmem>> -> memref<32x512xf32, #tpu.memory_space<vmem>>
    tpu.enqueue_dma source(%dma_start3A_68 : memref<32x512xf32, #tpu.memory_space<vmem>>) target(%dma_start3A_64 : memref<32x512xf32, #tpu.memory_space<hbm>>) target_semaphore(%arg12 : memref<!tpu.dma_semaphore, #tpu.memory_space<semaphore_mem>>)
    %dma_wait3A_69 = arith.constant 1 : i32
    %dma_wait3A_70 = arith.constant 0 : i32
    %dma_wait3A_71 = arith.constant 0 : i32
    %dma_wait3A_72 = tpu.memref_slice %arg7[%dma_wait3A_69, %dma_wait3A_70, %dma_wait3A_71] : memref<2x512x32xf32, #tpu.memory_space<vmem>> -> memref<1x512x32xf32, #tpu.memory_space<vmem>>
    %dma_wait3A_73 = tpu.memref_squeeze %dma_wait3A_72 : memref<1x512x32xf32, #tpu.memory_space<vmem>> -> memref<512x32xf32, #tpu.memory_space<vmem>>
    %dma_wait3A_74 = arith.constant 0 : i32
    %dma_wait3A_75 = arith.constant 0 : i32
    %dma_wait3A_76 = tpu.memref_slice %arg2[%dma_wait3A_74, %dma_wait3A_75] : memref<1000000x32xf32, #tpu.memory_space<hbm>> -> memref<512x32xf32, #tpu.memory_space<hbm>>
    %dma_wait3A_77 = arith.constant 0 : i32
    %dma_wait3A_78 = arith.constant 0 : i32
    %dma_wait3A_79 = tpu.memref_slice %arg7[%dma_wait3A_69, %dma_wait3A_77, %dma_wait3A_78] : memref<2x512x32xf32, #tpu.memory_space<vmem>> -> memref<1x512x32xf32, #tpu.memory_space<vmem>>
    %dma_wait3A_80 = tpu.memref_squeeze %dma_wait3A_79 : memref<1x512x32xf32, #tpu.memory_space<vmem>> -> memref<512x32xf32, #tpu.memory_space<vmem>>
    %dma_wait3A_81 = arith.constant 0 : i32
    %dma_wait3A_82 = arith.constant 0 : i32
    %dma_wait3A_83 = tpu.memref_slice %arg2[%dma_wait3A_81, %dma_wait3A_82] : memref<1000000x32xf32, #tpu.memory_space<hbm>> -> memref<512x32xf32, #tpu.memory_space<hbm>>
    tpu.wait_dma2 semaphore(%arg11 : memref<!tpu.dma_semaphore, #tpu.memory_space<semaphore_mem>>) src(%dma_wait3A_83 : memref<512x32xf32, #tpu.memory_space<hbm>>) dst(%dma_wait3A_80 : memref<512x32xf32, #tpu.memory_space<vmem>>)
    %dma_start3A_84 = arith.constant 2 : i32
    %dma_start3A_85 = arith.constant 0 : i32
    %dma_start3A_86 = arith.constant 0 : i32
    %dma_start3A_87 = arith.constant 0 : i32
    %dma_start3A_88 = tpu.memref_slice %arg7[%dma_start3A_85, %dma_start3A_86, %dma_start3A_87] : memref<2x512x32xf32, #tpu.memory_space<vmem>> -> memref<1x512x32xf32, #tpu.memory_space<vmem>>
    %dma_start3A_89 = tpu.memref_squeeze %dma_start3A_88 : memref<1x512x32xf32, #tpu.memory_space<vmem>> -> memref<512x32xf32, #tpu.memory_space<vmem>>
    %dma_start3A_90 = arith.constant 0 : i32
    %dma_start3A_91 = tpu.memref_slice %arg6[%dma_start3A_84, %dma_start3A_90] : memref<50x512xi32, #tpu.memory_space<vmem>> -> memref<1x512xi32, #tpu.memory_space<vmem>>
    %dma_start3A_92 = tpu.memref_squeeze %dma_start3A_91 : memref<1x512xi32, #tpu.memory_space<vmem>> -> memref<512xi32, #tpu.memory_space<vmem>>
    %dma_start3A_93 = arith.constant 0 : i32
    %dma_start3A_94 = arith.constant 0 : i32
    %dma_start3A_95 = tpu.memref_slice %arg2[%dma_start3A_93, %dma_start3A_94] : memref<1000000x32xf32, #tpu.memory_space<hbm>> -> memref<1000000x32xf32, #tpu.memory_space<hbm>>
    tpu.enqueue_indirect_dma source(%dma_start3A_95 : memref<1000000x32xf32, #tpu.memory_space<hbm>>) target(%dma_start3A_89 : memref<512x32xf32, #tpu.memory_space<vmem>>) offsets(%dma_start3A_92 : memref<512xi32, #tpu.memory_space<vmem>>) semaphore(%arg10 : memref<!tpu.dma_semaphore, #tpu.memory_space<semaphore_mem>>)
    %parallel_loop3A_96 = arith.constant 0 : i32
    %parallel_loop3A_97 = arith.constant 512 : i32
    %parallel_loop3A_98 = arith.constant 1 : i32
    %parallel_loop3A_99:2 = scf.for %parallel_loop3A_269 = %parallel_loop3A_96 to %parallel_loop3A_97 step %parallel_loop3A_98 iter_args(%parallel_loop3A_270 = %parallel_loop3A_52#0, %parallel_loop3A_271 = %parallel_loop3A_52#1) -> (vector<16xf32>, vector<16xf32>)  : i32 {
      %parallel_loop3A_272 = vector.broadcast %parallel_loop3A_269 : i32 to vector<16xi32>
      %parallel_loop3A_273 = arith.addi %broadcast_in_dim3A_3, %parallel_loop3A_272 : vector<16xi32>
      %parallel_loop3A_274 = arith.constant 1 : i32
      %parallel_loop3A_275 = arith.index_cast %parallel_loop3A_274 : i32 to index
      %parallel_loop3A_276 = arith.index_cast %parallel_loop3A_269 : i32 to index
      %parallel_loop3A_277 = arith.constant 0 : index
      %parallel_loop3A_278 = tpu.vector_load %arg7[%parallel_loop3A_275, %parallel_loop3A_276, %parallel_loop3A_277] {strides = array<i32>} : memref<2x512x32xf32, #tpu.memory_space<vmem>>, vector<16xf32>,
      %parallel_loop3A_279 = arith.constant 1 : i32
      %parallel_loop3A_280 = arith.index_cast %parallel_loop3A_279 : i32 to index
      %parallel_loop3A_281 = arith.index_cast %parallel_loop3A_269 : i32 to index
      %parallel_loop3A_282 = arith.constant 16 : index
      %parallel_loop3A_283 = tpu.vector_load %arg7[%parallel_loop3A_280, %parallel_loop3A_281, %parallel_loop3A_282] {strides = array<i32>} : memref<2x512x32xf32, #tpu.memory_space<vmem>>, vector<16xf32>,
      tpu.vector_store_idx %arg8[%broadcast_in_dim3A_9, %iota3A, %parallel_loop3A_273], %parallel_loop3A_278 : memref<2x32x513xf32, #tpu.memory_space<vmem>>[vector<16xi32>, vector<16xi32>, vector<16xi32>], vector<16xf32>,
      tpu.vector_store_idx %arg8[%broadcast_in_dim3A_9, %add3A_12, %parallel_loop3A_273], %parallel_loop3A_283 : memref<2x32x513xf32, #tpu.memory_space<vmem>>[vector<16xi32>, vector<16xi32>, vector<16xi32>], vector<16xf32>,
      %parallel_loop3A_284 = arith.addf %parallel_loop3A_270, %parallel_loop3A_278 : vector<16xf32>
      %parallel_loop3A_285 = arith.addf %parallel_loop3A_271, %parallel_loop3A_283 : vector<16xf32>
      scf.yield %parallel_loop3A_284, %parallel_loop3A_285 : vector<16xf32>, vector<16xf32>
    } {sc.loop_unroll_factor = 8 : i64, sc.parallel_access}
    %dma_start3A_100 = arith.constant 1 : i32
    %dma_start3A_101 = arith.constant 1 : i32
    %dma_start3A_102 = arith.constant 0 : i32
    %dma_start3A_103 = arith.constant 0 : i32
    %dma_start3A_104 = tpu.memref_slice %arg8[%dma_start3A_100, %dma_start3A_102, %dma_start3A_103] : memref<2x32x513xf32, #tpu.memory_space<vmem>> -> memref<1x32x512xf32, #tpu.memory_space<vmem>>
    %dma_start3A_105 = tpu.memref_squeeze %dma_start3A_104 : memref<1x32x512xf32, #tpu.memory_space<vmem>> -> memref<32x512xf32, #tpu.memory_space<vmem>>
    %dma_start3A_106 = arith.constant 0 : i32
    %dma_start3A_107 = tpu.memref_slice %arg4[%dma_start3A_101, %dma_start3A_106, %mul3A_2] : memref<50x32x16384xf32, #tpu.memory_space<hbm>> -> memref<1x32x512xf32, #tpu.memory_space<hbm>>
    %dma_start3A_108 = tpu.memref_squeeze %dma_start3A_107 : memref<1x32x512xf32, #tpu.memory_space<hbm>> -> memref<32x512xf32, #tpu.memory_space<hbm>>
    %dma_start3A_109 = arith.constant 0 : i32
    %dma_start3A_110 = tpu.memref_slice %arg4[%dma_start3A_101, %dma_start3A_109, %mul3A_2] : memref<50x32x16384xf32, #tpu.memory_space<hbm>> -> memref<1x32x512xf32, #tpu.memory_space<hbm>>
    %dma_start3A_111 = tpu.memref_squeeze %dma_start3A_110 : memref<1x32x512xf32, #tpu.memory_space<hbm>> -> memref<32x512xf32, #tpu.memory_space<hbm>>
    %dma_start3A_112 = arith.constant 0 : i32
    %dma_start3A_113 = arith.constant 0 : i32
    %dma_start3A_114 = tpu.memref_slice %arg8[%dma_start3A_100, %dma_start3A_112, %dma_start3A_113] : memref<2x32x513xf32, #tpu.memory_space<vmem>> -> memref<1x32x512xf32, #tpu.memory_space<vmem>>
    %dma_start3A_115 = tpu.memref_squeeze %dma_start3A_114 : memref<1x32x512xf32, #tpu.memory_space<vmem>> -> memref<32x512xf32, #tpu.memory_space<vmem>>
    tpu.enqueue_dma source(%dma_start3A_115 : memref<32x512xf32, #tpu.memory_space<vmem>>) target(%dma_start3A_111 : memref<32x512xf32, #tpu.memory_space<hbm>>) target_semaphore(%arg13 : memref<!tpu.dma_semaphore, #tpu.memory_space<semaphore_mem>>)
    %dma_wait3A_116 = arith.constant 0 : i32
    %dma_wait3A_117 = arith.constant 0 : i32
    %dma_wait3A_118 = arith.constant 0 : i32
    %dma_wait3A_119 = tpu.memref_slice %arg7[%dma_wait3A_116, %dma_wait3A_117, %dma_wait3A_118] : memref<2x512x32xf32, #tpu.memory_space<vmem>> -> memref<1x512x32xf32, #tpu.memory_space<vmem>>
    %dma_wait3A_120 = tpu.memref_squeeze %dma_wait3A_119 : memref<1x512x32xf32, #tpu.memory_space<vmem>> -> memref<512x32xf32, #tpu.memory_space<vmem>>
    %dma_wait3A_121 = arith.constant 0 : i32
    %dma_wait3A_122 = arith.constant 0 : i32
    %dma_wait3A_123 = tpu.memref_slice %arg2[%dma_wait3A_121, %dma_wait3A_122] : memref<1000000x32xf32, #tpu.memory_space<hbm>> -> memref<512x32xf32, #tpu.memory_space<hbm>>
    %dma_wait3A_124 = arith.constant 0 : i32
    %dma_wait3A_125 = arith.constant 0 : i32
    %dma_wait3A_126 = tpu.memref_slice %arg7[%dma_wait3A_116, %dma_wait3A_124, %dma_wait3A_125] : memref<2x512x32xf32, #tpu.memory_space<vmem>> -> memref<1x512x32xf32, #tpu.memory_space<vmem>>
    %dma_wait3A_127 = tpu.memref_squeeze %dma_wait3A_126 : memref<1x512x32xf32, #tpu.memory_space<vmem>> -> memref<512x32xf32, #tpu.memory_space<vmem>>
    %dma_wait3A_128 = arith.constant 0 : i32
    %dma_wait3A_129 = arith.constant 0 : i32
    %dma_wait3A_130 = tpu.memref_slice %arg2[%dma_wait3A_128, %dma_wait3A_129] : memref<1000000x32xf32, #tpu.memory_space<hbm>> -> memref<512x32xf32, #tpu.memory_space<hbm>>
    tpu.wait_dma2 semaphore(%arg10 : memref<!tpu.dma_semaphore, #tpu.memory_space<semaphore_mem>>) src(%dma_wait3A_130 : memref<512x32xf32, #tpu.memory_space<hbm>>) dst(%dma_wait3A_127 : memref<512x32xf32, #tpu.memory_space<vmem>>)
    %dma_start3A_131 = arith.constant 3 : i32
    %dma_start3A_132 = arith.constant 1 : i32
    %dma_start3A_133 = arith.constant 0 : i32
    %dma_start3A_134 = arith.constant 0 : i32
    %dma_start3A_135 = tpu.memref_slice %arg7[%dma_start3A_132, %dma_start3A_133, %dma_start3A_134] : memref<2x512x32xf32, #tpu.memory_space<vmem>> -> memref<1x512x32xf32, #tpu.memory_space<vmem>>
    %dma_start3A_136 = tpu.memref_squeeze %dma_start3A_135 : memref<1x512x32xf32, #tpu.memory_space<vmem>> -> memref<512x32xf32, #tpu.memory_space<vmem>>
    %dma_start3A_137 = arith.constant 0 : i32
    %dma_start3A_138 = tpu.memref_slice %arg6[%dma_start3A_131, %dma_start3A_137] : memref<50x512xi32, #tpu.memory_space<vmem>> -> memref<1x512xi32, #tpu.memory_space<vmem>>
    %dma_start3A_139 = tpu.memref_squeeze %dma_start3A_138 : memref<1x512xi32, #tpu.memory_space<vmem>> -> memref<512xi32, #tpu.memory_space<vmem>>
    %dma_start3A_140 = arith.constant 0 : i32
    %dma_start3A_141 = arith.constant 0 : i32
    %dma_start3A_142 = tpu.memref_slice %arg2[%dma_start3A_140, %dma_start3A_141] : memref<1000000x32xf32, #tpu.memory_space<hbm>> -> memref<1000000x32xf32, #tpu.memory_space<hbm>>
    tpu.enqueue_indirect_dma source(%dma_start3A_142 : memref<1000000x32xf32, #tpu.memory_space<hbm>>) target(%dma_start3A_136 : memref<512x32xf32, #tpu.memory_space<vmem>>) offsets(%dma_start3A_139 : memref<512xi32, #tpu.memory_space<vmem>>) semaphore(%arg11 : memref<!tpu.dma_semaphore, #tpu.memory_space<semaphore_mem>>)
    %dma_wait3A_143 = arith.constant 0 : i32
    %dma_wait3A_144 = arith.constant 0 : i32
    %dma_wait3A_145 = arith.constant 0 : i32
    %dma_wait3A_146 = arith.constant 0 : i32
    %dma_wait3A_147 = tpu.memref_slice %arg8[%dma_wait3A_143, %dma_wait3A_145, %dma_wait3A_146] : memref<2x32x513xf32, #tpu.memory_space<vmem>> -> memref<1x32x512xf32, #tpu.memory_space<vmem>>
    %dma_wait3A_148 = tpu.memref_squeeze %dma_wait3A_147 : memref<1x32x512xf32, #tpu.memory_space<vmem>> -> memref<32x512xf32, #tpu.memory_space<vmem>>
    %dma_wait3A_149 = arith.constant 0 : i32
    %dma_wait3A_150 = tpu.memref_slice %arg4[%dma_wait3A_144, %dma_wait3A_149, %mul3A_2] : memref<50x32x16384xf32, #tpu.memory_space<hbm>> -> memref<1x32x512xf32, #tpu.memory_space<hbm>>
    %dma_wait3A_151 = tpu.memref_squeeze %dma_wait3A_150 : memref<1x32x512xf32, #tpu.memory_space<hbm>> -> memref<32x512xf32, #tpu.memory_space<hbm>>
    %dma_wait3A_152 = arith.constant 0 : i32
    %dma_wait3A_153 = tpu.memref_slice %arg4[%dma_wait3A_144, %dma_wait3A_152, %mul3A_2] : memref<50x32x16384xf32, #tpu.memory_space<hbm>> -> memref<1x32x512xf32, #tpu.memory_space<hbm>>
    %dma_wait3A_154 = tpu.memref_squeeze %dma_wait3A_153 : memref<1x32x512xf32, #tpu.memory_space<hbm>> -> memref<32x512xf32, #tpu.memory_space<hbm>>
    %dma_wait3A_155 = arith.constant 0 : i32
    %dma_wait3A_156 = arith.constant 0 : i32
    %dma_wait3A_157 = tpu.memref_slice %arg8[%dma_wait3A_143, %dma_wait3A_155, %dma_wait3A_156] : memref<2x32x513xf32, #tpu.memory_space<vmem>> -> memref<1x32x512xf32, #tpu.memory_space<vmem>>
    %dma_wait3A_158 = tpu.memref_squeeze %dma_wait3A_157 : memref<1x32x512xf32, #tpu.memory_space<vmem>> -> memref<32x512xf32, #tpu.memory_space<vmem>>
    tpu.wait_dma2 semaphore(%arg12 : memref<!tpu.dma_semaphore, #tpu.memory_space<semaphore_mem>>) src(%dma_wait3A_158 : memref<32x512xf32, #tpu.memory_space<vmem>>) dst(%dma_wait3A_154 : memref<32x512xf32, #tpu.memory_space<hbm>>)
    %parallel_loop3A_159 = arith.constant 0 : i32
    %parallel_loop3A_160 = arith.constant 512 : i32
    %parallel_loop3A_161 = arith.constant 1 : i32
    %parallel_loop3A_162:2 = scf.for %parallel_loop3A_269 = %parallel_loop3A_159 to %parallel_loop3A_160 step %parallel_loop3A_161 iter_args(%parallel_loop3A_270 = %parallel_loop3A_99#0, %parallel_loop3A_271 = %parallel_loop3A_99#1) -> (vector<16xf32>, vector<16xf32>)  : i32 {
      %parallel_loop3A_272 = vector.broadcast %parallel_loop3A_269 : i32 to vector<16xi32>
      %parallel_loop3A_273 = arith.addi %broadcast_in_dim3A_3, %parallel_loop3A_272 : vector<16xi32>
      %parallel_loop3A_274 = arith.constant 0 : i32
      %parallel_loop3A_275 = arith.index_cast %parallel_loop3A_274 : i32 to index
      %parallel_loop3A_276 = arith.index_cast %parallel_loop3A_269 : i32 to index
      %parallel_loop3A_277 = arith.constant 0 : index
      %parallel_loop3A_278 = tpu.vector_load %arg7[%parallel_loop3A_275, %parallel_loop3A_276, %parallel_loop3A_277] {strides = array<i32>} : memref<2x512x32xf32, #tpu.memory_space<vmem>>, vector<16xf32>,
      %parallel_loop3A_279 = arith.constant 0 : i32
      %parallel_loop3A_280 = arith.index_cast %parallel_loop3A_279 : i32 to index
      %parallel_loop3A_281 = arith.index_cast %parallel_loop3A_269 : i32 to index
      %parallel_loop3A_282 = arith.constant 16 : index
      %parallel_loop3A_283 = tpu.vector_load %arg7[%parallel_loop3A_280, %parallel_loop3A_281, %parallel_loop3A_282] {strides = array<i32>} : memref<2x512x32xf32, #tpu.memory_space<vmem>>, vector<16xf32>,
      tpu.vector_store_idx %arg8[%broadcast_in_dim3A_7, %iota3A, %parallel_loop3A_273], %parallel_loop3A_278 : memref<2x32x513xf32, #tpu.memory_space<vmem>>[vector<16xi32>, vector<16xi32>, vector<16xi32>], vector<16xf32>,
      tpu.vector_store_idx %arg8[%broadcast_in_dim3A_7, %add3A_12, %parallel_loop3A_273], %parallel_loop3A_283 : memref<2x32x513xf32, #tpu.memory_space<vmem>>[vector<16xi32>, vector<16xi32>, vector<16xi32>], vector<16xf32>,
      %parallel_loop3A_284 = arith.addf %parallel_loop3A_270, %parallel_loop3A_278 : vector<16xf32>
      %parallel_loop3A_285 = arith.addf %parallel_loop3A_271, %parallel_loop3A_283 : vector<16xf32>
      scf.yield %parallel_loop3A_284, %parallel_loop3A_285 : vector<16xf32>, vector<16xf32>
    } {sc.loop_unroll_factor = 8 : i64, sc.parallel_access}
    %dma_start3A_163 = arith.constant 0 : i32
    %dma_start3A_164 = arith.constant 2 : i32
    %dma_start3A_165 = arith.constant 0 : i32
    %dma_start3A_166 = arith.constant 0 : i32
    %dma_start3A_167 = tpu.memref_slice %arg8[%dma_start3A_163, %dma_start3A_165, %dma_start3A_166] : memref<2x32x513xf32, #tpu.memory_space<vmem>> -> memref<1x32x512xf32, #tpu.memory_space<vmem>>
    %dma_start3A_168 = tpu.memref_squeeze %dma_start3A_167 : memref<1x32x512xf32, #tpu.memory_space<vmem>> -> memref<32x512xf32, #tpu.memory_space<vmem>>
    %dma_start3A_169 = arith.constant 0 : i32
    %dma_start3A_170 = tpu.memref_slice %arg4[%dma_start3A_164, %dma_start3A_169, %mul3A_2] : memref<50x32x16384xf32, #tpu.memory_space<hbm>> -> memref<1x32x512xf32, #tpu.memory_space<hbm>>
    %dma_start3A_171 = tpu.memref_squeeze %dma_start3A_170 : memref<1x32x512xf32, #tpu.memory_space<hbm>> -> memref<32x512xf32, #tpu.memory_space<hbm>>
    %dma_start3A_172 = arith.constant 0 : i32
    %dma_start3A_173 = tpu.memref_slice %arg4[%dma_start3A_164, %dma_start3A_172, %mul3A_2] : memref<50x32x16384xf32, #tpu.memory_space<hbm>> -> memref<1x32x512xf32, #tpu.memory_space<hbm>>
    %dma_start3A_174 = tpu.memref_squeeze %dma_start3A_173 : memref<1x32x512xf32, #tpu.memory_space<hbm>> -> memref<32x512xf32, #tpu.memory_space<hbm>>
    %dma_start3A_175 = arith.constant 0 : i32
    %dma_start3A_176 = arith.constant 0 : i32
    %dma_start3A_177 = tpu.memref_slice %arg8[%dma_start3A_163, %dma_start3A_175, %dma_start3A_176] : memref<2x32x513xf32, #tpu.memory_space<vmem>> -> memref<1x32x512xf32, #tpu.memory_space<vmem>>
    %dma_start3A_178 = tpu.memref_squeeze %dma_start3A_177 : memref<1x32x512xf32, #tpu.memory_space<vmem>> -> memref<32x512xf32, #tpu.memory_space<vmem>>
    tpu.enqueue_dma source(%dma_start3A_178 : memref<32x512xf32, #tpu.memory_space<vmem>>) target(%dma_start3A_174 : memref<32x512xf32, #tpu.memory_space<hbm>>) target_semaphore(%arg12 : memref<!tpu.dma_semaphore, #tpu.memory_space<semaphore_mem>>)
    %scan3A = arith.constant 0 : i32
    %scan3A_179 = arith.constant 23 : i32
    %scan3A_180 = arith.addi %scan3A, %scan3A_179 : i32
    %scan3A_181 = arith.constant 1 : i32
    %scan3A_182:2 = scf.for %scan3A_269 = %scan3A to %scan3A_180 step %scan3A_181 iter_args(%scan3A_270 = %parallel_loop3A_162#0, %scan3A_271 = %parallel_loop3A_162#1) -> (vector<16xf32>, vector<16xf32>)  : i32 {
      %mul3A_272 = arith.constant 2 : i32
      %mul3A_273 = arith.muli %scan3A_269, %mul3A_272 : i32
      %add3A_274 = arith.constant 3 : i32
      %add3A_275 = arith.addi %add3A_274, %mul3A_273 : i32
      %add3A_276 = arith.constant 0 : i32
      %add3A_277 = arith.addi %add3A_275, %add3A_276 : i32
      %dma_wait3A_278 = arith.constant 1 : i32
      %dma_wait3A_279 = arith.constant 0 : i32
      %dma_wait3A_280 = arith.constant 0 : i32
      %dma_wait3A_281 = tpu.memref_slice %arg7[%dma_wait3A_278, %dma_wait3A_279, %dma_wait3A_280] : memref<2x512x32xf32, #tpu.memory_space<vmem>> -> memref<1x512x32xf32, #tpu.memory_space<vmem>>
      %dma_wait3A_282 = tpu.memref_squeeze %dma_wait3A_281 : memref<1x512x32xf32, #tpu.memory_space<vmem>> -> memref<512x32xf32, #tpu.memory_space<vmem>>
      %dma_wait3A_283 = arith.constant 0 : i32
      %dma_wait3A_284 = arith.constant 0 : i32
      %dma_wait3A_285 = tpu.memref_slice %arg2[%dma_wait3A_283, %dma_wait3A_284] : memref<1000000x32xf32, #tpu.memory_space<hbm>> -> memref<512x32xf32, #tpu.memory_space<hbm>>
      %dma_wait3A_286 = arith.constant 0 : i32
      %dma_wait3A_287 = arith.constant 0 : i32
      %dma_wait3A_288 = tpu.memref_slice %arg7[%dma_wait3A_278, %dma_wait3A_286, %dma_wait3A_287] : memref<2x512x32xf32, #tpu.memory_space<vmem>> -> memref<1x512x32xf32, #tpu.memory_space<vmem>>
      %dma_wait3A_289 = tpu.memref_squeeze %dma_wait3A_288 : memref<1x512x32xf32, #tpu.memory_space<vmem>> -> memref<512x32xf32, #tpu.memory_space<vmem>>
      %dma_wait3A_290 = arith.constant 0 : i32
      %dma_wait3A_291 = arith.constant 0 : i32
      %dma_wait3A_292 = tpu.memref_slice %arg2[%dma_wait3A_290, %dma_wait3A_291] : memref<1000000x32xf32, #tpu.memory_space<hbm>> -> memref<512x32xf32, #tpu.memory_space<hbm>>
      tpu.wait_dma2 semaphore(%arg11 : memref<!tpu.dma_semaphore, #tpu.memory_space<semaphore_mem>>) src(%dma_wait3A_292 : memref<512x32xf32, #tpu.memory_space<hbm>>) dst(%dma_wait3A_289 : memref<512x32xf32, #tpu.memory_space<vmem>>)
      %add3A_293 = arith.constant 1 : i32
      %add3A_294 = arith.addi %add3A_277, %add3A_293 : i32
      %dma_start3A_295 = arith.constant 0 : i32
      %dma_start3A_296 = arith.constant 0 : i32
      %dma_start3A_297 = arith.constant 0 : i32
      %dma_start3A_298 = tpu.memref_slice %arg7[%dma_start3A_295, %dma_start3A_296, %dma_start3A_297] : memref<2x512x32xf32, #tpu.memory_space<vmem>> -> memref<1x512x32xf32, #tpu.memory_space<vmem>>
      %dma_start3A_299 = tpu.memref_squeeze %dma_start3A_298 : memref<1x512x32xf32, #tpu.memory_space<vmem>> -> memref<512x32xf32, #tpu.memory_space<vmem>>
      %dma_start3A_300 = arith.constant 0 : i32
      %dma_start3A_301 = tpu.memref_slice %arg6[%add3A_294, %dma_start3A_300] : memref<50x512xi32, #tpu.memory_space<vmem>> -> memref<1x512xi32, #tpu.memory_space<vmem>>
      %dma_start3A_302 = tpu.memref_squeeze %dma_start3A_301 : memref<1x512xi32, #tpu.memory_space<vmem>> -> memref<512xi32, #tpu.memory_space<vmem>>
      %dma_start3A_303 = arith.constant 0 : i32
      %dma_start3A_304 = arith.constant 0 : i32
      %dma_start3A_305 = tpu.memref_slice %arg2[%dma_start3A_303, %dma_start3A_304] : memref<1000000x32xf32, #tpu.memory_space<hbm>> -> memref<1000000x32xf32, #tpu.memory_space<hbm>>
      tpu.enqueue_indirect_dma source(%dma_start3A_305 : memref<1000000x32xf32, #tpu.memory_space<hbm>>) target(%dma_start3A_299 : memref<512x32xf32, #tpu.memory_space<vmem>>) offsets(%dma_start3A_302 : memref<512xi32, #tpu.memory_space<vmem>>) semaphore(%arg10 : memref<!tpu.dma_semaphore, #tpu.memory_space<semaphore_mem>>)
      %dma_wait3A_306 = arith.constant 1 : i32
      %dma_wait3A_307 = arith.constant 0 : i32
      %dma_wait3A_308 = arith.constant 0 : i32
      %dma_wait3A_309 = arith.constant 0 : i32
      %dma_wait3A_310 = tpu.memref_slice %arg8[%dma_wait3A_306, %dma_wait3A_308, %dma_wait3A_309] : memref<2x32x513xf32, #tpu.memory_space<vmem>> -> memref<1x32x512xf32, #tpu.memory_space<vmem>>
      %dma_wait3A_311 = tpu.memref_squeeze %dma_wait3A_310 : memref<1x32x512xf32, #tpu.memory_space<vmem>> -> memref<32x512xf32, #tpu.memory_space<vmem>>
      %dma_wait3A_312 = arith.constant 0 : i32
      %dma_wait3A_313 = tpu.memref_slice %arg4[%dma_wait3A_307, %dma_wait3A_312, %mul3A_2] : memref<50x32x16384xf32, #tpu.memory_space<hbm>> -> memref<1x32x512xf32, #tpu.memory_space<hbm>>
      %dma_wait3A_314 = tpu.memref_squeeze %dma_wait3A_313 : memref<1x32x512xf32, #tpu.memory_space<hbm>> -> memref<32x512xf32, #tpu.memory_space<hbm>>
      %dma_wait3A_315 = arith.constant 0 : i32
      %dma_wait3A_316 = tpu.memref_slice %arg4[%dma_wait3A_307, %dma_wait3A_315, %mul3A_2] : memref<50x32x16384xf32, #tpu.memory_space<hbm>> -> memref<1x32x512xf32, #tpu.memory_space<hbm>>
      %dma_wait3A_317 = tpu.memref_squeeze %dma_wait3A_316 : memref<1x32x512xf32, #tpu.memory_space<hbm>> -> memref<32x512xf32, #tpu.memory_space<hbm>>
      %dma_wait3A_318 = arith.constant 0 : i32
      %dma_wait3A_319 = arith.constant 0 : i32
      %dma_wait3A_320 = tpu.memref_slice %arg8[%dma_wait3A_306, %dma_wait3A_318, %dma_wait3A_319] : memref<2x32x513xf32, #tpu.memory_space<vmem>> -> memref<1x32x512xf32, #tpu.memory_space<vmem>>
      %dma_wait3A_321 = tpu.memref_squeeze %dma_wait3A_320 : memref<1x32x512xf32, #tpu.memory_space<vmem>> -> memref<32x512xf32, #tpu.memory_space<vmem>>
      tpu.wait_dma2 semaphore(%arg13 : memref<!tpu.dma_semaphore, #tpu.memory_space<semaphore_mem>>) src(%dma_wait3A_321 : memref<32x512xf32, #tpu.memory_space<vmem>>) dst(%dma_wait3A_317 : memref<32x512xf32, #tpu.memory_space<hbm>>)
      %parallel_loop3A_322 = arith.constant 0 : i32
      %parallel_loop3A_323 = arith.constant 512 : i32
      %parallel_loop3A_324 = arith.constant 1 : i32
      %parallel_loop3A_325:2 = scf.for %parallel_loop3A_410 = %parallel_loop3A_322 to %parallel_loop3A_323 step %parallel_loop3A_324 iter_args(%parallel_loop3A_411 = %scan3A_270, %parallel_loop3A_412 = %scan3A_271) -> (vector<16xf32>, vector<16xf32>)  : i32 {
        %parallel_loop3A_413 = vector.broadcast %parallel_loop3A_410 : i32 to vector<16xi32>
        %parallel_loop3A_414 = arith.addi %broadcast_in_dim3A_3, %parallel_loop3A_413 : vector<16xi32>
        %parallel_loop3A_415 = arith.constant 1 : i32
        %parallel_loop3A_416 = arith.index_cast %parallel_loop3A_415 : i32 to index
        %parallel_loop3A_417 = arith.index_cast %parallel_loop3A_410 : i32 to index
        %parallel_loop3A_418 = arith.constant 0 : index
        %parallel_loop3A_419 = tpu.vector_load %arg7[%parallel_loop3A_416, %parallel_loop3A_417, %parallel_loop3A_418] {strides = array<i32>} : memref<2x512x32xf32, #tpu.memory_space<vmem>>, vector<16xf32>,
        %parallel_loop3A_420 = arith.constant 1 : i32
        %parallel_loop3A_421 = arith.index_cast %parallel_loop3A_420 : i32 to index
        %parallel_loop3A_422 = arith.index_cast %parallel_loop3A_410 : i32 to index
        %parallel_loop3A_423 = arith.constant 16 : index
        %parallel_loop3A_424 = tpu.vector_load %arg7[%parallel_loop3A_421, %parallel_loop3A_422, %parallel_loop3A_423] {strides = array<i32>} : memref<2x512x32xf32, #tpu.memory_space<vmem>>, vector<16xf32>,
        tpu.vector_store_idx %arg8[%broadcast_in_dim3A_9, %iota3A, %parallel_loop3A_414], %parallel_loop3A_419 : memref<2x32x513xf32, #tpu.memory_space<vmem>>[vector<16xi32>, vector<16xi32>, vector<16xi32>], vector<16xf32>,
        tpu.vector_store_idx %arg8[%broadcast_in_dim3A_9, %add3A_12, %parallel_loop3A_414], %parallel_loop3A_424 : memref<2x32x513xf32, #tpu.memory_space<vmem>>[vector<16xi32>, vector<16xi32>, vector<16xi32>], vector<16xf32>,
        %parallel_loop3A_425 = arith.addf %parallel_loop3A_411, %parallel_loop3A_419 : vector<16xf32>
        %parallel_loop3A_426 = arith.addf %parallel_loop3A_412, %parallel_loop3A_424 : vector<16xf32>
        scf.yield %parallel_loop3A_425, %parallel_loop3A_426 : vector<16xf32>, vector<16xf32>
      } {sc.loop_unroll_factor = 8 : i64, sc.parallel_access}
      %dma_start3A_326 = arith.constant 1 : i32
      %dma_start3A_327 = arith.constant 0 : i32
      %dma_start3A_328 = arith.constant 0 : i32
      %dma_start3A_329 = tpu.memref_slice %arg8[%dma_start3A_326, %dma_start3A_327, %dma_start3A_328] : memref<2x32x513xf32, #tpu.memory_space<vmem>> -> memref<1x32x512xf32, #tpu.memory_space<vmem>>
      %dma_start3A_330 = tpu.memref_squeeze %dma_start3A_329 : memref<1x32x512xf32, #tpu.memory_space<vmem>> -> memref<32x512xf32, #tpu.memory_space<vmem>>
      %dma_start3A_331 = arith.constant 0 : i32
      %dma_start3A_332 = tpu.memref_slice %arg4[%add3A_277, %dma_start3A_331, %mul3A_2] : memref<50x32x16384xf32, #tpu.memory_space<hbm>> -> memref<1x32x512xf32, #tpu.memory_space<hbm>>
      %dma_start3A_333 = tpu.memref_squeeze %dma_start3A_332 : memref<1x32x512xf32, #tpu.memory_space<hbm>> -> memref<32x512xf32, #tpu.memory_space<hbm>>
      %dma_start3A_334 = arith.constant 0 : i32
      %dma_start3A_335 = tpu.memref_slice %arg4[%add3A_277, %dma_start3A_334, %mul3A_2] : memref<50x32x16384xf32, #tpu.memory_space<hbm>> -> memref<1x32x512xf32, #tpu.memory_space<hbm>>
      %dma_start3A_336 = tpu.memref_squeeze %dma_start3A_335 : memref<1x32x512xf32, #tpu.memory_space<hbm>> -> memref<32x512xf32, #tpu.memory_space<hbm>>
      %dma_start3A_337 = arith.constant 0 : i32
      %dma_start3A_338 = arith.constant 0 : i32
      %dma_start3A_339 = tpu.memref_slice %arg8[%dma_start3A_326, %dma_start3A_337, %dma_start3A_338] : memref<2x32x513xf32, #tpu.memory_space<vmem>> -> memref<1x32x512xf32, #tpu.memory_space<vmem>>
      %dma_start3A_340 = tpu.memref_squeeze %dma_start3A_339 : memref<1x32x512xf32, #tpu.memory_space<vmem>> -> memref<32x512xf32, #tpu.memory_space<vmem>>
      tpu.enqueue_dma source(%dma_start3A_340 : memref<32x512xf32, #tpu.memory_space<vmem>>) target(%dma_start3A_336 : memref<32x512xf32, #tpu.memory_space<hbm>>) target_semaphore(%arg13 : memref<!tpu.dma_semaphore, #tpu.memory_space<semaphore_mem>>)
      %mul3A_341 = arith.constant 2 : i32
      %mul3A_342 = arith.muli %scan3A_269, %mul3A_341 : i32
      %add3A_343 = arith.constant 3 : i32
      %add3A_344 = arith.addi %add3A_343, %mul3A_342 : i32
      %add3A_345 = arith.constant 1 : i32
      %add3A_346 = arith.addi %add3A_344, %add3A_345 : i32
      %dma_wait3A_347 = arith.constant 0 : i32
      %dma_wait3A_348 = arith.constant 0 : i32
      %dma_wait3A_349 = arith.constant 0 : i32
      %dma_wait3A_350 = tpu.memref_slice %arg7[%dma_wait3A_347, %dma_wait3A_348, %dma_wait3A_349] : memref<2x512x32xf32, #tpu.memory_space<vmem>> -> memref<1x512x32xf32, #tpu.memory_space<vmem>>
      %dma_wait3A_351 = tpu.memref_squeeze %dma_wait3A_350 : memref<1x512x32xf32, #tpu.memory_space<vmem>> -> memref<512x32xf32, #tpu.memory_space<vmem>>
      %dma_wait3A_352 = arith.constant 0 : i32
      %dma_wait3A_353 = arith.constant 0 : i32
      %dma_wait3A_354 = tpu.memref_slice %arg2[%dma_wait3A_352, %dma_wait3A_353] : memref<1000000x32xf32, #tpu.memory_space<hbm>> -> memref<512x32xf32, #tpu.memory_space<hbm>>
      %dma_wait3A_355 = arith.constant 0 : i32
      %dma_wait3A_356 = arith.constant 0 : i32
      %dma_wait3A_357 = tpu.memref_slice %arg7[%dma_wait3A_347, %dma_wait3A_355, %dma_wait3A_356] : memref<2x512x32xf32, #tpu.memory_space<vmem>> -> memref<1x512x32xf32, #tpu.memory_space<vmem>>
      %dma_wait3A_358 = tpu.memref_squeeze %dma_wait3A_357 : memref<1x512x32xf32, #tpu.memory_space<vmem>> -> memref<512x32xf32, #tpu.memory_space<vmem>>
      %dma_wait3A_359 = arith.constant 0 : i32
      %dma_wait3A_360 = arith.constant 0 : i32
      %dma_wait3A_361 = tpu.memref_slice %arg2[%dma_wait3A_359, %dma_wait3A_360] : memref<1000000x32xf32, #tpu.memory_space<hbm>> -> memref<512x32xf32, #tpu.memory_space<hbm>>
      tpu.wait_dma2 semaphore(%arg10 : memref<!tpu.dma_semaphore, #tpu.memory_space<semaphore_mem>>) src(%dma_wait3A_361 : memref<512x32xf32, #tpu.memory_space<hbm>>) dst(%dma_wait3A_358 : memref<512x32xf32, #tpu.memory_space<vmem>>)
      %add3A_362 = arith.constant 1 : i32
      %add3A_363 = arith.addi %add3A_346, %add3A_362 : i32
      %dma_start3A_364 = arith.constant 1 : i32
      %dma_start3A_365 = arith.constant 0 : i32
      %dma_start3A_366 = arith.constant 0 : i32
      %dma_start3A_367 = tpu.memref_slice %arg7[%dma_start3A_364, %dma_start3A_365, %dma_start3A_366] : memref<2x512x32xf32, #tpu.memory_space<vmem>> -> memref<1x512x32xf32, #tpu.memory_space<vmem>>
      %dma_start3A_368 = tpu.memref_squeeze %dma_start3A_367 : memref<1x512x32xf32, #tpu.memory_space<vmem>> -> memref<512x32xf32, #tpu.memory_space<vmem>>
      %dma_start3A_369 = arith.constant 0 : i32
      %dma_start3A_370 = tpu.memref_slice %arg6[%add3A_363, %dma_start3A_369] : memref<50x512xi32, #tpu.memory_space<vmem>> -> memref<1x512xi32, #tpu.memory_space<vmem>>
      %dma_start3A_371 = tpu.memref_squeeze %dma_start3A_370 : memref<1x512xi32, #tpu.memory_space<vmem>> -> memref<512xi32, #tpu.memory_space<vmem>>
      %dma_start3A_372 = arith.constant 0 : i32
      %dma_start3A_373 = arith.constant 0 : i32
      %dma_start3A_374 = tpu.memref_slice %arg2[%dma_start3A_372, %dma_start3A_373] : memref<1000000x32xf32, #tpu.memory_space<hbm>> -> memref<1000000x32xf32, #tpu.memory_space<hbm>>
      tpu.enqueue_indirect_dma source(%dma_start3A_374 : memref<1000000x32xf32, #tpu.memory_space<hbm>>) target(%dma_start3A_368 : memref<512x32xf32, #tpu.memory_space<vmem>>) offsets(%dma_start3A_371 : memref<512xi32, #tpu.memory_space<vmem>>) semaphore(%arg11 : memref<!tpu.dma_semaphore, #tpu.memory_space<semaphore_mem>>)
      %dma_wait3A_375 = arith.constant 0 : i32
      %dma_wait3A_376 = arith.constant 0 : i32
      %dma_wait3A_377 = arith.constant 0 : i32
      %dma_wait3A_378 = arith.constant 0 : i32
      %dma_wait3A_379 = tpu.memref_slice %arg8[%dma_wait3A_375, %dma_wait3A_377, %dma_wait3A_378] : memref<2x32x513xf32, #tpu.memory_space<vmem>> -> memref<1x32x512xf32, #tpu.memory_space<vmem>>
      %dma_wait3A_380 = tpu.memref_squeeze %dma_wait3A_379 : memref<1x32x512xf32, #tpu.memory_space<vmem>> -> memref<32x512xf32, #tpu.memory_space<vmem>>
      %dma_wait3A_381 = arith.constant 0 : i32
      %dma_wait3A_382 = tpu.memref_slice %arg4[%dma_wait3A_376, %dma_wait3A_381, %mul3A_2] : memref<50x32x16384xf32, #tpu.memory_space<hbm>> -> memref<1x32x512xf32, #tpu.memory_space<hbm>>
      %dma_wait3A_383 = tpu.memref_squeeze %dma_wait3A_382 : memref<1x32x512xf32, #tpu.memory_space<hbm>> -> memref<32x512xf32, #tpu.memory_space<hbm>>
      %dma_wait3A_384 = arith.constant 0 : i32
      %dma_wait3A_385 = tpu.memref_slice %arg4[%dma_wait3A_376, %dma_wait3A_384, %mul3A_2] : memref<50x32x16384xf32, #tpu.memory_space<hbm>> -> memref<1x32x512xf32, #tpu.memory_space<hbm>>
      %dma_wait3A_386 = tpu.memref_squeeze %dma_wait3A_385 : memref<1x32x512xf32, #tpu.memory_space<hbm>> -> memref<32x512xf32, #tpu.memory_space<hbm>>
      %dma_wait3A_387 = arith.constant 0 : i32
      %dma_wait3A_388 = arith.constant 0 : i32
      %dma_wait3A_389 = tpu.memref_slice %arg8[%dma_wait3A_375, %dma_wait3A_387, %dma_wait3A_388] : memref<2x32x513xf32, #tpu.memory_space<vmem>> -> memref<1x32x512xf32, #tpu.memory_space<vmem>>
      %dma_wait3A_390 = tpu.memref_squeeze %dma_wait3A_389 : memref<1x32x512xf32, #tpu.memory_space<vmem>> -> memref<32x512xf32, #tpu.memory_space<vmem>>
      tpu.wait_dma2 semaphore(%arg12 : memref<!tpu.dma_semaphore, #tpu.memory_space<semaphore_mem>>) src(%dma_wait3A_390 : memref<32x512xf32, #tpu.memory_space<vmem>>) dst(%dma_wait3A_386 : memref<32x512xf32, #tpu.memory_space<hbm>>)
      %parallel_loop3A_391 = arith.constant 0 : i32
      %parallel_loop3A_392 = arith.constant 512 : i32
      %parallel_loop3A_393 = arith.constant 1 : i32
      %parallel_loop3A_394:2 = scf.for %parallel_loop3A_410 = %parallel_loop3A_391 to %parallel_loop3A_392 step %parallel_loop3A_393 iter_args(%parallel_loop3A_411 = %parallel_loop3A_325#0, %parallel_loop3A_412 = %parallel_loop3A_325#1) -> (vector<16xf32>, vector<16xf32>)  : i32 {
        %parallel_loop3A_413 = vector.broadcast %parallel_loop3A_410 : i32 to vector<16xi32>
        %parallel_loop3A_414 = arith.addi %broadcast_in_dim3A_3, %parallel_loop3A_413 : vector<16xi32>
        %parallel_loop3A_415 = arith.constant 0 : i32
        %parallel_loop3A_416 = arith.index_cast %parallel_loop3A_415 : i32 to index
        %parallel_loop3A_417 = arith.index_cast %parallel_loop3A_410 : i32 to index
        %parallel_loop3A_418 = arith.constant 0 : index
        %parallel_loop3A_419 = tpu.vector_load %arg7[%parallel_loop3A_416, %parallel_loop3A_417, %parallel_loop3A_418] {strides = array<i32>} : memref<2x512x32xf32, #tpu.memory_space<vmem>>, vector<16xf32>,
        %parallel_loop3A_420 = arith.constant 0 : i32
        %parallel_loop3A_421 = arith.index_cast %parallel_loop3A_420 : i32 to index
        %parallel_loop3A_422 = arith.index_cast %parallel_loop3A_410 : i32 to index
        %parallel_loop3A_423 = arith.constant 16 : index
        %parallel_loop3A_424 = tpu.vector_load %arg7[%parallel_loop3A_421, %parallel_loop3A_422, %parallel_loop3A_423] {strides = array<i32>} : memref<2x512x32xf32, #tpu.memory_space<vmem>>, vector<16xf32>,
        tpu.vector_store_idx %arg8[%broadcast_in_dim3A_7, %iota3A, %parallel_loop3A_414], %parallel_loop3A_419 : memref<2x32x513xf32, #tpu.memory_space<vmem>>[vector<16xi32>, vector<16xi32>, vector<16xi32>], vector<16xf32>,
        tpu.vector_store_idx %arg8[%broadcast_in_dim3A_7, %add3A_12, %parallel_loop3A_414], %parallel_loop3A_424 : memref<2x32x513xf32, #tpu.memory_space<vmem>>[vector<16xi32>, vector<16xi32>, vector<16xi32>], vector<16xf32>,
        %parallel_loop3A_425 = arith.addf %parallel_loop3A_411, %parallel_loop3A_419 : vector<16xf32>
        %parallel_loop3A_426 = arith.addf %parallel_loop3A_412, %parallel_loop3A_424 : vector<16xf32>
        scf.yield %parallel_loop3A_425, %parallel_loop3A_426 : vector<16xf32>, vector<16xf32>
      } {sc.loop_unroll_factor = 8 : i64, sc.parallel_access}
      %dma_start3A_395 = arith.constant 0 : i32
      %dma_start3A_396 = arith.constant 0 : i32
      %dma_start3A_397 = arith.constant 0 : i32
      %dma_start3A_398 = tpu.memref_slice %arg8[%dma_start3A_395, %dma_start3A_396, %dma_start3A_397] : memref<2x32x513xf32, #tpu.memory_space<vmem>> -> memref<1x32x512xf32, #tpu.memory_space<vmem>>
      %dma_start3A_399 = tpu.memref_squeeze %dma_start3A_398 : memref<1x32x512xf32, #tpu.memory_space<vmem>> -> memref<32x512xf32, #tpu.memory_space<vmem>>
      %dma_start3A_400 = arith.constant 0 : i32
      %dma_start3A_401 = tpu.memref_slice %arg4[%add3A_346, %dma_start3A_400, %mul3A_2] : memref<50x32x16384xf32, #tpu.memory_space<hbm>> -> memref<1x32x512xf32, #tpu.memory_space<hbm>>
      %dma_start3A_402 = tpu.memref_squeeze %dma_start3A_401 : memref<1x32x512xf32, #tpu.memory_space<hbm>> -> memref<32x512xf32, #tpu.memory_space<hbm>>
      %dma_start3A_403 = arith.constant 0 : i32
      %dma_start3A_404 = tpu.memref_slice %arg4[%add3A_346, %dma_start3A_403, %mul3A_2] : memref<50x32x16384xf32, #tpu.memory_space<hbm>> -> memref<1x32x512xf32, #tpu.memory_space<hbm>>
      %dma_start3A_405 = tpu.memref_squeeze %dma_start3A_404 : memref<1x32x512xf32, #tpu.memory_space<hbm>> -> memref<32x512xf32, #tpu.memory_space<hbm>>
      %dma_start3A_406 = arith.constant 0 : i32
      %dma_start3A_407 = arith.constant 0 : i32
      %dma_start3A_408 = tpu.memref_slice %arg8[%dma_start3A_395, %dma_start3A_406, %dma_start3A_407] : memref<2x32x513xf32, #tpu.memory_space<vmem>> -> memref<1x32x512xf32, #tpu.memory_space<vmem>>
      %dma_start3A_409 = tpu.memref_squeeze %dma_start3A_408 : memref<1x32x512xf32, #tpu.memory_space<vmem>> -> memref<32x512xf32, #tpu.memory_space<vmem>>
      tpu.enqueue_dma source(%dma_start3A_409 : memref<32x512xf32, #tpu.memory_space<vmem>>) target(%dma_start3A_405 : memref<32x512xf32, #tpu.memory_space<hbm>>) target_semaphore(%arg12 : memref<!tpu.dma_semaphore, #tpu.memory_space<semaphore_mem>>)
      scf.yield %parallel_loop3A_394#0, %parallel_loop3A_394#1 : vector<16xf32>, vector<16xf32>
    }
    %scan3A_183 = arith.constant 23 : i32
    %dma_wait3A_184 = arith.constant 1 : i32
    %dma_wait3A_185 = arith.constant 0 : i32
    %dma_wait3A_186 = arith.constant 0 : i32
    %dma_wait3A_187 = tpu.memref_slice %arg7[%dma_wait3A_184, %dma_wait3A_185, %dma_wait3A_186] : memref<2x512x32xf32, #tpu.memory_space<vmem>> -> memref<1x512x32xf32, #tpu.memory_space<vmem>>
    %dma_wait3A_188 = tpu.memref_squeeze %dma_wait3A_187 : memref<1x512x32xf32, #tpu.memory_space<vmem>> -> memref<512x32xf32, #tpu.memory_space<vmem>>
    %dma_wait3A_189 = arith.constant 0 : i32
    %dma_wait3A_190 = arith.constant 0 : i32
    %dma_wait3A_191 = tpu.memref_slice %arg2[%dma_wait3A_189, %dma_wait3A_190] : memref<1000000x32xf32, #tpu.memory_space<hbm>> -> memref<512x32xf32, #tpu.memory_space<hbm>>
    %dma_wait3A_192 = arith.constant 0 : i32
    %dma_wait3A_193 = arith.constant 0 : i32
    %dma_wait3A_194 = tpu.memref_slice %arg7[%dma_wait3A_184, %dma_wait3A_192, %dma_wait3A_193] : memref<2x512x32xf32, #tpu.memory_space<vmem>> -> memref<1x512x32xf32, #tpu.memory_space<vmem>>
    %dma_wait3A_195 = tpu.memref_squeeze %dma_wait3A_194 : memref<1x512x32xf32, #tpu.memory_space<vmem>> -> memref<512x32xf32, #tpu.memory_space<vmem>>
    %dma_wait3A_196 = arith.constant 0 : i32
    %dma_wait3A_197 = arith.constant 0 : i32
    %dma_wait3A_198 = tpu.memref_slice %arg2[%dma_wait3A_196, %dma_wait3A_197] : memref<1000000x32xf32, #tpu.memory_space<hbm>> -> memref<512x32xf32, #tpu.memory_space<hbm>>
    tpu.wait_dma2 semaphore(%arg11 : memref<!tpu.dma_semaphore, #tpu.memory_space<semaphore_mem>>) src(%dma_wait3A_198 : memref<512x32xf32, #tpu.memory_space<hbm>>) dst(%dma_wait3A_195 : memref<512x32xf32, #tpu.memory_space<vmem>>)
    %dma_wait3A_199 = arith.constant 1 : i32
    %dma_wait3A_200 = arith.constant 0 : i32
    %dma_wait3A_201 = arith.constant 0 : i32
    %dma_wait3A_202 = arith.constant 0 : i32
    %dma_wait3A_203 = tpu.memref_slice %arg8[%dma_wait3A_199, %dma_wait3A_201, %dma_wait3A_202] : memref<2x32x513xf32, #tpu.memory_space<vmem>> -> memref<1x32x512xf32, #tpu.memory_space<vmem>>
    %dma_wait3A_204 = tpu.memref_squeeze %dma_wait3A_203 : memref<1x32x512xf32, #tpu.memory_space<vmem>> -> memref<32x512xf32, #tpu.memory_space<vmem>>
    %dma_wait3A_205 = arith.constant 0 : i32
    %dma_wait3A_206 = tpu.memref_slice %arg4[%dma_wait3A_200, %dma_wait3A_205, %mul3A_2] : memref<50x32x16384xf32, #tpu.memory_space<hbm>> -> memref<1x32x512xf32, #tpu.memory_space<hbm>>
    %dma_wait3A_207 = tpu.memref_squeeze %dma_wait3A_206 : memref<1x32x512xf32, #tpu.memory_space<hbm>> -> memref<32x512xf32, #tpu.memory_space<hbm>>
    %dma_wait3A_208 = arith.constant 0 : i32
    %dma_wait3A_209 = tpu.memref_slice %arg4[%dma_wait3A_200, %dma_wait3A_208, %mul3A_2] : memref<50x32x16384xf32, #tpu.memory_space<hbm>> -> memref<1x32x512xf32, #tpu.memory_space<hbm>>
    %dma_wait3A_210 = tpu.memref_squeeze %dma_wait3A_209 : memref<1x32x512xf32, #tpu.memory_space<hbm>> -> memref<32x512xf32, #tpu.memory_space<hbm>>
    %dma_wait3A_211 = arith.constant 0 : i32
    %dma_wait3A_212 = arith.constant 0 : i32
    %dma_wait3A_213 = tpu.memref_slice %arg8[%dma_wait3A_199, %dma_wait3A_211, %dma_wait3A_212] : memref<2x32x513xf32, #tpu.memory_space<vmem>> -> memref<1x32x512xf32, #tpu.memory_space<vmem>>
    %dma_wait3A_214 = tpu.memref_squeeze %dma_wait3A_213 : memref<1x32x512xf32, #tpu.memory_space<vmem>> -> memref<32x512xf32, #tpu.memory_space<vmem>>
    tpu.wait_dma2 semaphore(%arg13 : memref<!tpu.dma_semaphore, #tpu.memory_space<semaphore_mem>>) src(%dma_wait3A_214 : memref<32x512xf32, #tpu.memory_space<vmem>>) dst(%dma_wait3A_210 : memref<32x512xf32, #tpu.memory_space<hbm>>)
    %parallel_loop3A_215 = arith.constant 0 : i32
    %parallel_loop3A_216 = arith.constant 512 : i32
    %parallel_loop3A_217 = arith.constant 1 : i32
    %parallel_loop3A_218:2 = scf.for %parallel_loop3A_269 = %parallel_loop3A_215 to %parallel_loop3A_216 step %parallel_loop3A_217 iter_args(%parallel_loop3A_270 = %scan3A_182#0, %parallel_loop3A_271 = %scan3A_182#1) -> (vector<16xf32>, vector<16xf32>)  : i32 {
      %parallel_loop3A_272 = vector.broadcast %parallel_loop3A_269 : i32 to vector<16xi32>
      %parallel_loop3A_273 = arith.addi %broadcast_in_dim3A_3, %parallel_loop3A_272 : vector<16xi32>
      %parallel_loop3A_274 = arith.constant 1 : i32
      %parallel_loop3A_275 = arith.index_cast %parallel_loop3A_274 : i32 to index
      %parallel_loop3A_276 = arith.index_cast %parallel_loop3A_269 : i32 to index
      %parallel_loop3A_277 = arith.constant 0 : index
      %parallel_loop3A_278 = tpu.vector_load %arg7[%parallel_loop3A_275, %parallel_loop3A_276, %parallel_loop3A_277] {strides = array<i32>} : memref<2x512x32xf32, #tpu.memory_space<vmem>>, vector<16xf32>,
      %parallel_loop3A_279 = arith.constant 1 : i32
      %parallel_loop3A_280 = arith.index_cast %parallel_loop3A_279 : i32 to index
      %parallel_loop3A_281 = arith.index_cast %parallel_loop3A_269 : i32 to index
      %parallel_loop3A_282 = arith.constant 16 : index
      %parallel_loop3A_283 = tpu.vector_load %arg7[%parallel_loop3A_280, %parallel_loop3A_281, %parallel_loop3A_282] {strides = array<i32>} : memref<2x512x32xf32, #tpu.memory_space<vmem>>, vector<16xf32>,
      tpu.vector_store_idx %arg8[%broadcast_in_dim3A_9, %iota3A, %parallel_loop3A_273], %parallel_loop3A_278 : memref<2x32x513xf32, #tpu.memory_space<vmem>>[vector<16xi32>, vector<16xi32>, vector<16xi32>], vector<16xf32>,
      tpu.vector_store_idx %arg8[%broadcast_in_dim3A_9, %add3A_12, %parallel_loop3A_273], %parallel_loop3A_283 : memref<2x32x513xf32, #tpu.memory_space<vmem>>[vector<16xi32>, vector<16xi32>, vector<16xi32>], vector<16xf32>,
      %parallel_loop3A_284 = arith.addf %parallel_loop3A_270, %parallel_loop3A_278 : vector<16xf32>
      %parallel_loop3A_285 = arith.addf %parallel_loop3A_271, %parallel_loop3A_283 : vector<16xf32>
      scf.yield %parallel_loop3A_284, %parallel_loop3A_285 : vector<16xf32>, vector<16xf32>
    } {sc.loop_unroll_factor = 8 : i64, sc.parallel_access}
    %dma_start3A_219 = arith.constant 1 : i32
    %dma_start3A_220 = arith.constant 49 : i32
    %dma_start3A_221 = arith.constant 0 : i32
    %dma_start3A_222 = arith.constant 0 : i32
    %dma_start3A_223 = tpu.memref_slice %arg8[%dma_start3A_219, %dma_start3A_221, %dma_start3A_222] : memref<2x32x513xf32, #tpu.memory_space<vmem>> -> memref<1x32x512xf32, #tpu.memory_space<vmem>>
    %dma_start3A_224 = tpu.memref_squeeze %dma_start3A_223 : memref<1x32x512xf32, #tpu.memory_space<vmem>> -> memref<32x512xf32, #tpu.memory_space<vmem>>
    %dma_start3A_225 = arith.constant 0 : i32
    %dma_start3A_226 = tpu.memref_slice %arg4[%dma_start3A_220, %dma_start3A_225, %mul3A_2] : memref<50x32x16384xf32, #tpu.memory_space<hbm>> -> memref<1x32x512xf32, #tpu.memory_space<hbm>>
    %dma_start3A_227 = tpu.memref_squeeze %dma_start3A_226 : memref<1x32x512xf32, #tpu.memory_space<hbm>> -> memref<32x512xf32, #tpu.memory_space<hbm>>
    %dma_start3A_228 = arith.constant 0 : i32
    %dma_start3A_229 = tpu.memref_slice %arg4[%dma_start3A_220, %dma_start3A_228, %mul3A_2] : memref<50x32x16384xf32, #tpu.memory_space<hbm>> -> memref<1x32x512xf32, #tpu.memory_space<hbm>>
    %dma_start3A_230 = tpu.memref_squeeze %dma_start3A_229 : memref<1x32x512xf32, #tpu.memory_space<hbm>> -> memref<32x512xf32, #tpu.memory_space<hbm>>
    %dma_start3A_231 = arith.constant 0 : i32
    %dma_start3A_232 = arith.constant 0 : i32
    %dma_start3A_233 = tpu.memref_slice %arg8[%dma_start3A_219, %dma_start3A_231, %dma_start3A_232] : memref<2x32x513xf32, #tpu.memory_space<vmem>> -> memref<1x32x512xf32, #tpu.memory_space<vmem>>
    %dma_start3A_234 = tpu.memref_squeeze %dma_start3A_233 : memref<1x32x512xf32, #tpu.memory_space<vmem>> -> memref<32x512xf32, #tpu.memory_space<vmem>>
    tpu.enqueue_dma source(%dma_start3A_234 : memref<32x512xf32, #tpu.memory_space<vmem>>) target(%dma_start3A_230 : memref<32x512xf32, #tpu.memory_space<hbm>>) target_semaphore(%arg13 : memref<!tpu.dma_semaphore, #tpu.memory_space<semaphore_mem>>)
    %dma_wait3A_235 = arith.constant 0 : i32
    %dma_wait3A_236 = arith.constant 0 : i32
    %dma_wait3A_237 = arith.constant 0 : i32
    %dma_wait3A_238 = arith.constant 0 : i32
    %dma_wait3A_239 = tpu.memref_slice %arg8[%dma_wait3A_235, %dma_wait3A_237, %dma_wait3A_238] : memref<2x32x513xf32, #tpu.memory_space<vmem>> -> memref<1x32x512xf32, #tpu.memory_space<vmem>>
    %dma_wait3A_240 = tpu.memref_squeeze %dma_wait3A_239 : memref<1x32x512xf32, #tpu.memory_space<vmem>> -> memref<32x512xf32, #tpu.memory_space<vmem>>
    %dma_wait3A_241 = arith.constant 0 : i32
    %dma_wait3A_242 = tpu.memref_slice %arg4[%dma_wait3A_236, %dma_wait3A_241, %mul3A_2] : memref<50x32x16384xf32, #tpu.memory_space<hbm>> -> memref<1x32x512xf32, #tpu.memory_space<hbm>>
    %dma_wait3A_243 = tpu.memref_squeeze %dma_wait3A_242 : memref<1x32x512xf32, #tpu.memory_space<hbm>> -> memref<32x512xf32, #tpu.memory_space<hbm>>
    %dma_wait3A_244 = arith.constant 0 : i32
    %dma_wait3A_245 = tpu.memref_slice %arg4[%dma_wait3A_236, %dma_wait3A_244, %mul3A_2] : memref<50x32x16384xf32, #tpu.memory_space<hbm>> -> memref<1x32x512xf32, #tpu.memory_space<hbm>>
    %dma_wait3A_246 = tpu.memref_squeeze %dma_wait3A_245 : memref<1x32x512xf32, #tpu.memory_space<hbm>> -> memref<32x512xf32, #tpu.memory_space<hbm>>
    %dma_wait3A_247 = arith.constant 0 : i32
    %dma_wait3A_248 = arith.constant 0 : i32
    %dma_wait3A_249 = tpu.memref_slice %arg8[%dma_wait3A_235, %dma_wait3A_247, %dma_wait3A_248] : memref<2x32x513xf32, #tpu.memory_space<vmem>> -> memref<1x32x512xf32, #tpu.memory_space<vmem>>
    %dma_wait3A_250 = tpu.memref_squeeze %dma_wait3A_249 : memref<1x32x512xf32, #tpu.memory_space<vmem>> -> memref<32x512xf32, #tpu.memory_space<vmem>>
    tpu.wait_dma2 semaphore(%arg12 : memref<!tpu.dma_semaphore, #tpu.memory_space<semaphore_mem>>) src(%dma_wait3A_250 : memref<32x512xf32, #tpu.memory_space<vmem>>) dst(%dma_wait3A_246 : memref<32x512xf32, #tpu.memory_space<hbm>>)
    %dma_wait3A_251 = arith.constant 1 : i32
    %dma_wait3A_252 = arith.constant 0 : i32
    %dma_wait3A_253 = arith.constant 0 : i32
    %dma_wait3A_254 = arith.constant 0 : i32
    %dma_wait3A_255 = tpu.memref_slice %arg8[%dma_wait3A_251, %dma_wait3A_253, %dma_wait3A_254] : memref<2x32x513xf32, #tpu.memory_space<vmem>> -> memref<1x32x512xf32, #tpu.memory_space<vmem>>
    %dma_wait3A_256 = tpu.memref_squeeze %dma_wait3A_255 : memref<1x32x512xf32, #tpu.memory_space<vmem>> -> memref<32x512xf32, #tpu.memory_space<vmem>>
    %dma_wait3A_257 = arith.constant 0 : i32
    %dma_wait3A_258 = tpu.memref_slice %arg4[%dma_wait3A_252, %dma_wait3A_257, %mul3A_2] : memref<50x32x16384xf32, #tpu.memory_space<hbm>> -> memref<1x32x512xf32, #tpu.memory_space<hbm>>
    %dma_wait3A_259 = tpu.memref_squeeze %dma_wait3A_258 : memref<1x32x512xf32, #tpu.memory_space<hbm>> -> memref<32x512xf32, #tpu.memory_space<hbm>>
    %dma_wait3A_260 = arith.constant 0 : i32
    %dma_wait3A_261 = tpu.memref_slice %arg4[%dma_wait3A_252, %dma_wait3A_260, %mul3A_2] : memref<50x32x16384xf32, #tpu.memory_space<hbm>> -> memref<1x32x512xf32, #tpu.memory_space<hbm>>
    %dma_wait3A_262 = tpu.memref_squeeze %dma_wait3A_261 : memref<1x32x512xf32, #tpu.memory_space<hbm>> -> memref<32x512xf32, #tpu.memory_space<hbm>>
    %dma_wait3A_263 = arith.constant 0 : i32
    %dma_wait3A_264 = arith.constant 0 : i32
    %dma_wait3A_265 = tpu.memref_slice %arg8[%dma_wait3A_251, %dma_wait3A_263, %dma_wait3A_264] : memref<2x32x513xf32, #tpu.memory_space<vmem>> -> memref<1x32x512xf32, #tpu.memory_space<vmem>>
    %dma_wait3A_266 = tpu.memref_squeeze %dma_wait3A_265 : memref<1x32x512xf32, #tpu.memory_space<vmem>> -> memref<32x512xf32, #tpu.memory_space<vmem>>
    tpu.wait_dma2 semaphore(%arg13 : memref<!tpu.dma_semaphore, #tpu.memory_space<semaphore_mem>>) src(%dma_wait3A_266 : memref<32x512xf32, #tpu.memory_space<vmem>>) dst(%dma_wait3A_262 : memref<32x512xf32, #tpu.memory_space<hbm>>)
    %add3A_267 = arith.addf %parallel_loop3A_218#0, %parallel_loop3A_218#1 : vector<16xf32>
    %swap3A = arith.constant 0 : index
    %swap3A_268 = tpu.vector_load %arg9[%swap3A] {strides = array<i32>} : memref<16xf32, #tpu.memory_space<vmem>>, vector<16xf32>,
    tpu.vector_store %arg9[%swap3A], %add3A_267 {strides = array<i32>} : memref<16xf32, #tpu.memory_space<vmem>>, vector<16xf32>,
    "tpu.region"() ({
      %run_scoped3A = tpu.sem_alloc : memref<!tpu.dma_semaphore, #tpu.memory_space<semaphore_mem>>
      %dma_start3A_269 = arith.constant 0 : i32
      %dma_start3A_270 = tpu.memref_slice %arg5[%add3A, %dma_start3A_269] : memref<32x16xf32, #tpu.memory_space<hbm>> -> memref<1x16xf32, #tpu.memory_space<hbm>>
      %dma_start3A_271 = tpu.memref_squeeze %dma_start3A_270 : memref<1x16xf32, #tpu.memory_space<hbm>> -> memref<16xf32, #tpu.memory_space<hbm>>
      %dma_start3A_272 = arith.constant 0 : i32
      %dma_start3A_273 = tpu.memref_slice %arg5[%add3A, %dma_start3A_272] : memref<32x16xf32, #tpu.memory_space<hbm>> -> memref<1x16xf32, #tpu.memory_space<hbm>>
      %dma_start3A_274 = tpu.memref_squeeze %dma_start3A_273 : memref<1x16xf32, #tpu.memory_space<hbm>> -> memref<16xf32, #tpu.memory_space<hbm>>
      tpu.enqueue_dma source(%arg9 : memref<16xf32, #tpu.memory_space<vmem>>) target(%dma_start3A_274 : memref<16xf32, #tpu.memory_space<hbm>>) target_semaphore(%run_scoped3A : memref<!tpu.dma_semaphore, #tpu.memory_space<semaphore_mem>>)
      %dma_wait3A_275 = arith.constant 0 : i32
      %dma_wait3A_276 = tpu.memref_slice %arg5[%add3A, %dma_wait3A_275] : memref<32x16xf32, #tpu.memory_space<hbm>> -> memref<1x16xf32, #tpu.memory_space<hbm>>
      %dma_wait3A_277 = tpu.memref_squeeze %dma_wait3A_276 : memref<1x16xf32, #tpu.memory_space<hbm>> -> memref<16xf32, #tpu.memory_space<hbm>>
      %dma_wait3A_278 = arith.constant 0 : i32
      %dma_wait3A_279 = tpu.memref_slice %arg5[%add3A, %dma_wait3A_278] : memref<32x16xf32, #tpu.memory_space<hbm>> -> memref<1x16xf32, #tpu.memory_space<hbm>>
      %dma_wait3A_280 = tpu.memref_squeeze %dma_wait3A_279 : memref<1x16xf32, #tpu.memory_space<hbm>> -> memref<16xf32, #tpu.memory_space<hbm>>
      tpu.wait_dma2 semaphore(%run_scoped3A : memref<!tpu.dma_semaphore, #tpu.memory_space<semaphore_mem>>) src(%arg9 : memref<16xf32, #tpu.memory_space<vmem>>) dst(%dma_wait3A_280 : memref<16xf32, #tpu.memory_space<hbm>>)
      tpu.yield
    }) : () -> ()
    return
  }
}

</mosaic_0001>

<sc_bundles>
// kernel: kernel.3.cloned.1.call-start
scs
__scs_entry_jumppad:
0x0: {  	(pc) =	sbr.rel $0x88, $3  }
0x1: {  	(tag) =	ssettag $0x0;
	lr =	simm.s32 $0x1  }
0x2: {  	[smem:$0x3F9F] =	sst lr;
	_ =	strace $0xD0000000  }
0x3: {  	_ = 	snop  }
0x4: {  	_ = 	snop  }
0x5: {  	_ = 	snop  }
0x6: {  	_ = 	snop  }
0x7: {  	_ = 	snop  }
__scs_overlays_trampoline_lowered:
0x8: {  	[smem:$0x3FAE] =	sst s0  }
0x9: {  	[smem:$0x3FAF] =	sst s1  }
0xa: {  	[smem:$0x3FB0] =	sst s2  }
0xb: {  	[smem:$0x3FB1] =	sst s3  }
0xc: {  	[smem:$0x3FB2] =	sst s4  }
0xd: {  	[smem:$0x3FB3] =	sst s5  }
0xe: {  	[smem:$0x3FB4] =	sst s6  }
0xf: {  	[smem:$0x3FB5] =	sst s7  }
0x10: {  	[smem:$0x3FB6] =	sst s8  }
0x11: {  	[smem:$0x3FB7] =	sst s9;
	s0 =	simm.s32 @!p0 $0x0  }
0x12: {  	s1 =	sld [smem:$0x3F9D];
	s0 =	simm.s32 @p0 $0x1  }
0x13: {  	[smem:$0x3FB8] =	sst s0;
	s0 =	simm.s32 @!p1 $0x0  }
0x14: {  	s2 =	sld [smem:$0x3F9C];
	s0 =	simm.s32 @p1 $0x1  }
0x15: {  	[smem:$0x3FB9] =	sst s0;
	s0 =	simm.s32 @!p2 $0x0  }
0x16: {  	s3 =	sld [smem:$0x3FDB];
	s0 =	simm.s32 @p2 $0x1  }
0x17: {  	s4 =	simm.s32 $0x1BF5;
	[smem:$0x3FBB] =	sst s0  }
0x18: {  	s0 =	sld [smem:$0x3F9E];
	_ =	swait.ge [sflag:s4], $0x0  }
0x19: {  	s7 =	sld [smem:$0x3F9F]  }
0x1a: {  	s8 =	sadd.s32 $0xFFFFE003, lr  }
0x1b: {  	s9 =	sadd.s32 $0xFFFFFEF7, lr;
	s5 =	simm.s32 $0xFFFFFFFF;
	p2 =	slt.u32 s8, $0xFFFFF086  }
0x1c: {  	p1 =	slt.u32 s9, $0xF7A;
	s5 =	simm.s32 @!p2 $0x0  }
0x1d: {  	s5 =	simm.s32 @p1 $0x1;
	p0 =	seq.s32 s7, s2  }
0x1e: {  	s7 =	smul.u32 @!p0 $0xF7A, s2;
	p2 =	seq.s32 @!p0 s5, $0x0  }
0x1f: {  	s9 =	smul.u32 $0xF7A, s1;
	s8 =	simm.s32 @!p0 $0x1BF5;
	p2 =	por !p2, p0  }
0x20: {  	[sflag:s8] =	ssyncset.s32 @!p0 $0xFFFFF086;
	s6 =	sadd.s32 @!p0 s3, s7;
	s7 =	simm.s32 @!p0 $0x108  }
0x21: {  	s3 =	sadd.s32 s3, s9;
	s6 =	sadd.s32 @!p0 $0x88, s6;
	s7 =	simm.s32 @p2 $0x1082  }
0x22: {  	[simem:s7], [sflag:s8] =	dma.local @!p0 [hbm:s6], $0xF7A  }
0x23: {  	s9 =	sor.u32 $0xD0000000, s2;
	s6 =	simm.s32 $0x108;
	_ =	swait.ge @!p0 [sflag:s8], $0x0  }
0x24: {  	s3 =	sadd.s32 $0x88, s3;
	s6 =	simm.s32 @!p1 $0x1082;
	[sflag:s4] =	ssyncset.s32 $0xFFFFF086  }
0x25: {  	[simem:s6], [sflag:s4] =	dma.local [hbm:s3], $0xF7A  }
0x26: {  	[smem:$0x3F9F] =	sst s1;
	(tag) =	ssettag s2;
	_ =	strace s9  }
0x27: {  	s1 =	sld [smem:$0x3FAF]  }
0x28: {  	s2 =	sld [smem:$0x3FB0]  }
0x29: {  	s4 =	sld [smem:$0x3FB2]  }
0x2a: {  	p0 =	seq.s32 s5, $0x0;
	s5 =	sld [smem:$0x3FB3]  }
0x2b: {  	s6 =	sld [smem:$0x3FB4]  }
0x2c: {  	s7 =	sld [smem:$0x3FB5]  }
0x2d: {  	s3 =	simm.s32 $0x108;
	s8 =	sld [smem:$0x3FB6]  }
0x2e: {  	s3 =	simm.s32 @!p0 $0x1082;
	s9 =	sld [smem:$0x3FB7]  }
0x2f: {  	lr =	sadd.s32 s0, s3;
	s0 =	sld [smem:$0x3FAE]  }
0x30: {  	s3 =	sld [smem:$0x3FB1]  }
0x31: {  	[smem:$0x3FBA] =	sst s10  }
0x32: {  	s10 =	sld [smem:$0x3FB8];
	_ =	sdelay $0x3  }
0x33: {  	p0 =	seq.s32 s10, $0x1;
	s10 =	sld [smem:$0x3FBA];
	_ =	sdelay $0x3  }
0x34: {  	[smem:$0x3FBA] =	sst s10  }
0x35: {  	s10 =	sld [smem:$0x3FB9];
	_ =	sdelay $0x3  }
0x36: {  	p1 =	seq.s32 s10, $0x1;
	s10 =	sld [smem:$0x3FBA];
	_ =	sdelay $0x3  }
0x37: {  	[smem:$0x3FBA] =	sst s10  }
0x38: {  	s10 =	sld [smem:$0x3FBB]  }
0x39: {  	_ = 	snop;
	(pc) =	sbr.ind lr, $3  }
0x3a: {  	_ = 	snop  }
0x3b: {  	_ = 	snop  }
0x3c: {  	p2 =	seq.s32 s10, $0x1;
	s10 =	sld [smem:$0x3FBA]  }
0x3d: {  	_ =	shalt  }
0x3e: {  	_ =	shalt  }
0x3f: {  	_ =	shalt  }
0x40: {  	_ =	shalt  }
0x41: {  	_ =	shalt  }
0x42: {  	_ =	shalt  }
0x43: {  	_ =	shalt  }
0x44: {  	_ =	shalt  }
0x45: {  	_ =	shalt  }
0x46: {  	_ =	shalt  }
0x47: {  	_ =	shalt  }
0x48: {  	_ =	shalt  }
0x49: {  	_ =	shalt  }
0x4a: {  	_ =	shalt  }
0x4b: {  	_ =	shalt  }
0x4c: {  	_ =	shalt  }
0x4d: {  	_ =	shalt  }
0x4e: {  	_ =	shalt  }
0x4f: {  	_ =	shalt  }
0x50: {  	_ =	shalt  }
0x51: {  	_ =	shalt  }
0x52: {  	_ =	shalt  }
0x53: {  	_ =	shalt  }
0x54: {  	_ =	shalt  }
0x55: {  	_ =	shalt  }
0x56: {  	_ =	shalt  }
0x57: {  	_ =	shalt  }
0x58: {  	_ =	shalt  }
0x59: {  	_ =	shalt  }
0x5a: {  	_ =	shalt  }
0x5b: {  	_ =	shalt  }
0x5c: {  	_ =	shalt  }
0x5d: {  	_ =	shalt  }
0x5e: {  	_ =	shalt  }
0x5f: {  	_ =	shalt  }
0x60: {  	_ =	shalt  }
0x61: {  	_ =	shalt  }
0x62: {  	_ =	shalt  }
0x63: {  	_ =	shalt  }
0x64: {  	_ =	shalt  }
0x65: {  	_ =	shalt  }
0x66: {  	_ =	shalt  }
0x67: {  	_ =	shalt  }
0x68: {  	_ =	shalt  }
0x69: {  	_ =	shalt  }
0x6a: {  	_ =	shalt  }
0x6b: {  	_ =	shalt  }
0x6c: {  	_ =	shalt  }
0x6d: {  	_ =	shalt  }
0x6e: {  	_ =	shalt  }
0x6f: {  	_ =	shalt  }
0x70: {  	_ =	shalt  }
0x71: {  	_ =	shalt  }
0x72: {  	_ =	shalt  }
0x73: {  	_ =	shalt  }
0x74: {  	_ =	shalt  }
0x75: {  	_ =	shalt  }
0x76: {  	_ =	shalt  }
0x77: {  	_ =	shalt  }
0x78: {  	_ =	shalt  }
0x79: {  	_ =	shalt  }
0x7a: {  	_ =	shalt  }
0x7b: {  	_ =	shalt  }
0x7c: {  	_ =	shalt  }
0x7d: {  	_ =	shalt  }
0x7e: {  	_ =	shalt  }
0x7f: {  	_ =	shalt  }
0x80: {  	_ =	shalt  }
0x81: {  	_ =	shalt  }
0x82: {  	_ =	shalt  }
0x83: {  	_ =	shalt  }
0x84: {  	_ =	shalt  }
0x85: {  	_ =	shalt  }
0x86: {  	_ =	shalt  }
0x87: {  	_ =	shalt  }
.Lfunc_end0:
.L_simem_size_0:
called_computation_lowered:
.L_overlay_start_0:
0x88: {  	s2 =	sld [smem:$0x3FD9]  }
0x89: {  	s3 =	sld [smem:$0x3FFE];
	_ =	sdelay $0x1  }
0x8a: {  	s1 =	srdreg.scid  }
0x8b: {  	s0 =	sand.u32 $0x1, s1  }
0x8c: {  	s14 =	sshll.u32 s0, $0xA;
	s2 =	sadd.s32 s3, s2  }
0x8d: {  	s2 =	sadd.s32 s2, s14  }
0x8e: {  	[smem:$0x3FC6] =	sst s2  }
0x8f: {  	_ = 	snop  }
0x90: {  	s2 =	sld [smem:$0x3FD0];
	_ =	sdelay $0x2  }
0x91: {  	s15 =	simm.s32 $0xA;
	s4 =	simm.s32 $0x10  }
0x92: {  	[smem:s4], [sflag:s15] =	dma.local [hbm:s2], $0x1  }
0x93: {  	_ =	swait.eq [sflag:s15], $0x1  }
0x94: {  	[sflag:s15] =	ssyncset.done $0x0  }
0x95: {  	[sflag:s15] =	ssyncadd.s32 $0xFFFFFFFF  }
0x96: {  	s16 =	sld [smem:$0x11];
	(tm) =	ssettm $0x1  }
0x97: {  	s17 =	sld [smem:$0x3FFB];
	_ =	sdelay $0x3  }
0x98: {  	_ =	strace s17  }
0x99: {  	s3 =	sld [smem:$0x3FFC];
	_ =	sdelay $0x3  }
0x9a: {  	_ =	strace s3  }
0x9b: {  	s3 =	sld [smem:$0x3FFD];
	_ =	sdelay $0x3  }
0x9c: {  	_ =	strace s3  }
0x9d: {  	_ =	strace $0x8FFFFFFF  }
0x9e: {  	s18 =	sld [smem:$0x3FDB];
	_ =	sdelay $0x1  }
0x9f: {  	s19 =	simm.s32 $_scs_section_size  }
0xa0: {  	s5 =	simm.s32 $_size__tile_overlayer_lowered;
	s6 =	simm.s32 $_tile_overlayer_lowered  }
0xa1: {  	s22 =	simm.s32 $0x1BFF;
	s21 =	sshll.u32 s6, $0x1;
	s3 =	sadd.s32 s19, s18  }
0xa2: {  	s7 =	simm.s32 $0x0;
	s20 =	sshll.u32 s5, $0x1;
	s5 =	sadd.s32 s21, s3  }
0xa3: {  	[timem:s7], [sflag:s22] =	dma.local [hbm:s5], s20  }
0xa4: {  	_ =	swait.ge [sflag:s22], s20  }
0xa5: {  	s4 =	ssub.s32 $0x0, s20;
	[sflag:s22] =	ssyncset.done $0x0  }
0xa6: {  	[sflag:s22] =	ssyncadd.s32 s4;
	_ =	sdelay $0x1  }
0xa7: {  	s23 =	simm.s32 $0x1B8B  }
0xa8: {  	_ =	swait.ge [sflag:s23], $0x1  }
0xa9: {  	[sflag:s23] =	ssyncset.done $0x0  }
0xaa: {  	s25 =	simm.s32 $0x1B8E;
	s24 =	sld [smem:$0x3FFE];
	[sflag:s23] =	ssyncadd.s32 $0xFFFFFFFF  }
0xab: {  	s26 =	simm.s32 $execute0_lowered;
	[smem:$0x3FD2] =	sst s25  }
0xac: {  	s5 =	sshll.u32 s26, $0x1;
	_ =	strace $0x80000046;
	[dreg:$0x1] =	wrdreg $0xFFFFFFFF  }
0xad: {  	s28 =	simm.s32 $_size_execute0_lowered;
	s3 =	sadd.s32 s3, s5;
	[dreg:$0x0] =	wrdreg $0x0  }
0xae: {  	s5 =	sshll.u32 s28, $0x1;
	[dreg:$0x2] =	wrdreg s3  }
0xaf: {  	[dreg:$0x3] =	wrdreg s5  }
0xb0: {  	[dreg:$0x4] =	wrdreg $0xC0  }
0xb1: {  	_ =	task [dreg:s7], $0x5FFFF  }
0xb2: {  	[dreg:$0x1] =	wrdreg $0xFFFFFFFF  }
0xb3: {  	[dreg:$0x0] =	wrdreg $0x60  }
0xb4: {  	[dreg:$0x2] =	wrdreg s24  }
0xb5: {  	[dreg:$0x3] =	wrdreg s16  }
0xb6: {  	[dreg:$0x4] =	wrdreg $0x9  }
0xb7: {  	_ =	task.clear_ibuf [dreg:s7], $0x5FFFF;
	_ =	strace $0x90000046  }
0xb8: {  	s29 =	simm.s32 $0x9;
	_ =	strace $0x80000048  }
0xb9: {  	_ =	swait.ge [sflag:s29], $0x1  }
0xba: {  	[sflag:s29] =	ssyncadd.s32 $0xFFFFFFFF  }
0xbb: {  	_ =	strace $0x90000048  }
0xbc: {  	_ =	sfence  }
0xbd: {  	s30 =	sld [smem:$0x0];
	_ =	sdelay $0x2  }
0xbe: {  	s31 =	sshll.u32 s1, $0xD;
	s1 =	sshrl.u32 s1, $0x2  }
0xbf: {  	s3 =	sand.u32 $0x4000, s31;
	s1 =	sadd.s32 s1, s30  }
0xc0: {  	s0 =	sor.u32 s3, s0;
	s1 =	sshll.u32 s1, $0x11  }
0xc1: {  	s0 =	sor.u32 s1, s0  }
0xc2: {  	s0 =	sadd.s32 $0x8F2B, s0  }
0xc3: {  	[sflag:s0] =	ssyncadd.remote.s32 $0x1  }
0xc4: {  	_ =	sfence.sel $0xFFFF  }
0xc5: {  	[dreg:$0x0] =	wrdreg $0xFFFFFFFF;
	(pc) =	sbr.abs _section_cstart, $3  }
0xc6: {  	[dreg:$0x1] =	wrdreg $0xFFFFFFFF  }
0xc7: {  	_ =	task.clear_ibuf [dreg:s7], $0x2FFFF;
	_ =	strace $0x9FFFFFFF  }
0xc8: {  	(tm) =	ssettm $0x7FFFFFFF  }
0xc9: {  	_ =	shalt  }
tec
execute0_lowered:
.L_overlay_start_1:
0x0: {  	(tag) =	ssettag $0x1  }
0x1: {  	s0 =	rddreg [dreg:$0x0];
	v0 =	vlaneseq.u32  }
0x2: {  	s1 =	rddreg [dreg:$0x1];
	s2 =	simm.s32 $0x0;
	v0 =	vmul.u32 $0x208, v0  }
0x3: {  	s3 =	srdreg.scid;
	s4 =	stileid.u32;
	v1 =	vimm.s32 $0x0;
	vm0 =	vcmask $0x300;
	s14 =	simm.s32 $0x200  }
0x4: {  	s16 =	simm.s32 $0x5;
	s17 =	simm.s32 $0x6400;
	s18 =	simm.s32 $0x1;
	v1 =	vsel vm0, $0x3, v1;
	v2 =	vadd.s32 $0x2080, v0  }
0x5: {  	s19 =	simm.s32 $0xA400;
	s20 =	simm.s32 $0xE400;
	s21 =	simm.s32 $0x2;
	v3 =	vor.u32 $0x1, v0;
	v4 =	vadd.s32 $0x2081, v0;
	v5 =	vor.u32 $0x2, v0  }
0x6: {  	s23 =	simm.s32 $0x600;
	s24 =	simm.s32 $0x3;
	s25 =	simm.s32 $0x4;
	v6 =	vadd.s32 $0x2082, v0;
	v7 =	vor.u32 $0x3, v0;
	v8 =	vadd.s32 $0x2083, v0  }
0x7: {  	s26 =	simm.s32 $0x16600;
	s28 =	simm.s32 $0x0;
	[smem:$0x7FF] =	sst s2;
	v9 =	vor.u32 $0x4, v0;
	v10 =	vadd.s32 $0x2084, v0;
	v11 =	vor.u32 $0x5, v0  }
0x8: {  	s5 =	sand.u32 $0x1, s3;
	s4 =	sshll.u32 s4, $0x1;
	s3 =	sadd.s32 $0xF42C00, s0;
	v12 =	vadd.s32 $0x2085, v0;
	v13 =	vor.u32 $0x6, v0;
	v14 =	vadd.s32 $0x2086, v0  }
0x9: {  	_ =	strace $0x80000047;
	s6 =	sor.u32 s5, s4;
	s5 =	ssub.s32 $0x2, s5;
	v15 =	vor.u32 $0x7, v0;
	v16 =	vadd.s32 $0x2087, v0;
	v17 =	vadd.s32 $0x4100, v0  }
0xa: {  	s4 =	sadd.s32 $0x800, s0;
	s7 =	sshll.u32 s6, $0x1;
	s31 =	sshrl.u32 s5, $0x1;
	v18 =	vadd.s32 $0x6180, v0;
	v19 =	vadd.s32 $0x4101, v0;
	v20 =	vadd.s32 $0x6181, v0  }
0xb: {  	s8 =	sshll.u32 s6, $0x6;
	v21 =	vadd.s32 $0x4102, v0;
	v22 =	vadd.s32 $0x6182, v0;
	v23 =	vadd.s32 $0x4103, v0;
	s0 =	sadd.s32 s7, s0;
	s13 =	ssub.s32 s5, s31  }
0xc: {  	v24 =	vadd.s32 $0x6183, v0;
	v25 =	vadd.s32 $0x4104, v0;
	v26 =	vadd.s32 $0x6184, v0;
	s5 =	sshll.u32 s6, $0x9;
	s6 =	sadd.s32 s4, s8;
	s7 =	sadd.s32 s1, s8  }
0xd: {  	v27 =	vadd.s32 $0x4105, v0;
	v28 =	vadd.s32 $0x6185, v0;
	v29 =	vadd.s32 $0x4106, v0;
	s8 =	sadd.s32 $0x10000, s6;
	s9 =	sadd.s32 $0x20000, s6;
	s10 =	sor.u32 $0x180000, s5  }
0xe: {  	v30 =	vadd.s32 $0x6186, v0;
	v31 =	vadd.s32 $0x4107, v0;
	v32 =	vadd.s32 $0x6187, v0;
	s11 =	sadd.s32 $0x310000, s6;
	s12 =	sadd.s32 $0x320800, s0;
	s13 =	smax.u32 s13, $0x1  }
.LBB2_1:
0xf: {  	s0 =	simm.s32 $0x4000;
	s15 =	simm.s32 $0x1  }
0x10: {  	[tilespmem:s2], [sflag:$0x5] =	stream.strided.gather [hbm4b:s7+s14], $0x6400, s0, s14, $0x38;
	[tilespmem:$0x16610] =	vst v63  }
0x11: {  	s1 =	simm.s32 $0x2;
	s22 =	simm.s32 $0x3;
	_ =	swait.ge [sflag:s16], $0x6400  }
0x12: {  	v33 =	vimm.f32 $0.0e+00;
	s31 =	simm.s32 $0x4;
	v35 =	vmov s15;
	s15 =	simm.s32 $0x5;
	[sflag:s16] =	ssyncset.done $0x0  }
0x13: {  	v34 =	vmov s2;
	v37 =	vmov s22;
	v38 =	vmov s31;
	s22 =	simm.s32 $0x6;
	s31 =	simm.s32 $0x7;
	[sflag:s16] =	ssyncadd.s32 $0xFFFF9C00  }
0x14: {  	v34 =	vshrl.u32 v34, $0x3;
	v36 =	vmov s1;
	v39 =	vmov s15;
	[tilespmem:s17], [sflag:$0x1] =	stream.indirect.gather [hbm4b:s3+s14], $0x20, s2, s14, $0xb8;
	[tilespmem:$0x16610] =	vst v63  }
0x15: {  	v34 =	vshll.u32 v34, v1;
	v42 =	vmov s22;
	v44 =	vmov s31;
	_ =	swait.ge [sflag:s18], $0x4000  }
0x16: {  	v35 =	vshrl.u32 v35, $0x3;
	v45 =	vshrl.u32 v36, $0x3;
	v46 =	vshrl.u32 v37, $0x3;
	[sflag:s18] =	ssyncset.done $0x0  }
0x17: {  	s29 =	simm.s32 $0x6480;
	v40 =	vshrl.u32 v38, $0x3;
	v34 =	vbroadcast v34, $0x0;
	v63 =	vshll.u32 v35, v1;
	[sflag:s18] =	ssyncadd.s32 $0xFFFFC000  }
0x18: {  	v41 =	vshrl.u32 v39, $0x3;
	v38 =	vshrl.u32 v42, $0x3;
	v42 =	vshrl.u32 v44, $0x3;
	[tilespmem:s19], [sflag:$0x2] =	stream.indirect.gather [hbm4b:s3+s14], $0x20, s14, s14, $0xb8;
	[tilespmem:$0x16610] =	vst v63  }
0x19: {  	v45 =	vshll.u32 v45, v1;
	v43 =	vbroadcast v63, $0x0;
	v39 =	vadd.s32 v0, v34;
	v35 =	vld [tilespmem:s29+$0xFFFFFF80]  }
0x1a: {  	s30 =	simm.s32 $0x8;
	v44 =	vshll.u32 v46, v1;
	v37 =	vadd.s32 v2, v34;
	v34 =	vimm.f32 $0.0e+00;
	v36 =	vld [tilespmem:s29+$0xFFFFFF90]  }
.LBB2_2:
0x1b: {  	p0 =	slt.u32 s30, $0x1F8;
	v46 =	vld [tilespmem:s29+$0xFFFFFFA0];
	v47 =	vadd.s32 v3, v43;
	v45 =	vbroadcast v45, $0x0;
	v40 =	vshll.u32 v40, v1  }
0x1c: {  	v43 =	vadd.s32 v4, v43;
	v44 =	vbroadcast v44, $0x0;
	v41 =	vshll.u32 v41, v1;
	v48 =	vld [tilespmem:s29+$0xFFFFFFB0]  }
0x1d: {  	v38 =	vshll.u32 v38, v1;
	v42 =	vshll.u32 v42, v1;
	v49 =	vld [tilespmem:s29+$0xFFFFFFC0];
	v50 =	vadd.s32 v5, v45  }
0x1e: {  	v40 =	vbroadcast v40, $0x0;
	v45 =	vadd.s32 v6, v45;
	v51 =	vadd.s32 v7, v44;
	[tilespmem:v39+s20+$0x0] =	vst.idx.msk $0xffff, v35;
	v39 =	vld [tilespmem:s29+$0xFFFFFFD0]  }
0x1f: {  	v33 =	vadd.f32 v35, v33;
	[tilespmem:v37+s20+$0x0] =	vst.idx.msk $0xffff, v36;
	v34 =	vadd.f32 v36, v34;
	v35 =	vld [tilespmem:s29+$0xFFFFFFE0]  }
0x20: {  	v41 =	vbroadcast v41, $0x0;
	v37 =	vadd.s32 v8, v44;
	v44 =	vadd.s32 v9, v40;
	[tilespmem:v47+s20+$0x0] =	vst.idx.msk $0xffff, v46;
	v36 =	vld [tilespmem:s29+$0xFFFFFFF0]  }
0x21: {  	v33 =	vadd.f32 v46, v33;
	[tilespmem:v43+s20+$0x0] =	vst.idx.msk $0xffff, v48;
	v34 =	vadd.f32 v48, v34;
	v43 =	vld [tilespmem:s29+$0x0]  }
0x22: {  	v38 =	vbroadcast v38, $0x0;
	v40 =	vadd.s32 v10, v40;
	v47 =	vadd.s32 v11, v41;
	[tilespmem:v50+s20+$0x0] =	vst.idx.msk $0xffff, v49;
	v46 =	vld [tilespmem:s29+$0x10]  }
0x23: {  	v48 =	vmov s30;
	v33 =	vadd.f32 v49, v33;
	[tilespmem:v45+s20+$0x0] =	vst.idx.msk $0xffff, v39;
	v34 =	vadd.f32 v39, v34;
	v39 =	vld [tilespmem:s29+$0x20]  }
0x24: {  	v42 =	vbroadcast v42, $0x0;
	v41 =	vadd.s32 v12, v41;
	v49 =	vadd.s32 v13, v38;
	[tilespmem:v51+s20+$0x0] =	vst.idx.msk $0xffff, v35;
	v45 =	vld [tilespmem:s29+$0x30]  }
0x25: {  	s0 =	sadd.s32 $0x1, s30;
	v48 =	vshrl.u32 v48, $0x3;
	v33 =	vadd.f32 v35, v33;
	[tilespmem:v37+s20+$0x0] =	vst.idx.msk $0xffff, v36;
	v34 =	vadd.f32 v36, v34;
	v35 =	vld [tilespmem:s29+$0x40]  }
0x26: {  	v38 =	vadd.s32 v14, v38;
	v36 =	vmov s0;
	s0 =	sadd.s32 $0x2, s30;
	[tilespmem:v44+s20+$0x0] =	vst.idx.msk $0xffff, v43;
	v37 =	vld [tilespmem:s29+$0x50];
	v44 =	vadd.s32 v15, v42  }
0x27: {  	s1 =	sadd.s32 $0x4, s30;
	v50 =	vmov s0;
	s0 =	sadd.s32 $0x3, s30;
	v33 =	vadd.f32 v43, v33;
	[tilespmem:v40+s20+$0x0] =	vst.idx.msk $0xffff, v46;
	v34 =	vadd.f32 v46, v34;
	v43 =	vld [tilespmem:s29+$0x60]  }
0x28: {  	v42 =	vadd.s32 v16, v42;
	v40 =	vmov s0;
	v46 =	vmov s1;
	s0 =	sadd.s32 $0x5, s30;
	[tilespmem:v47+s20+$0x0] =	vst.idx.msk $0xffff, v39;
	v47 =	vld [tilespmem:s29+$0x70]  }
0x29: {  	s1 =	sadd.s32 $0x7, s30;
	v51 =	vmov s0;
	s0 =	sadd.s32 $0x6, s30;
	v33 =	vadd.f32 v39, v33;
	[tilespmem:v41+s20+$0x0] =	vst.idx.msk $0xffff, v45;
	v34 =	vadd.f32 v45, v34  }
0x2a: {  	v39 =	vshll.u32 v48, v1;
	v48 =	vmov s1;
	v45 =	vmov s0;
	[tilespmem:v49+s20+$0x0] =	vst.idx.msk $0xffff, v35  }
0x2b: {  	v36 =	vshrl.u32 v36, $0x3;
	v33 =	vadd.f32 v35, v33;
	[tilespmem:v38+s20+$0x0] =	vst.idx.msk $0xffff, v37;
	v34 =	vadd.f32 v37, v34  }
.Ltmp0:
0x2c: {  	v49 =	vshrl.u32 v50, $0x3;
	v50 =	vshrl.u32 v40, $0x3;
	v40 =	vshrl.u32 v46, $0x3;
	[tilespmem:v44+s20+$0x0] =	vst.idx.msk $0xffff, v43;
	(pc) =	sbr.rel @p0 .LBB2_2-.Ltmp0, $4  }
0x2d: {  	v37 =	vbroadcast v39, $0x0;
	v33 =	vadd.f32 v43, v33;
	[tilespmem:v42+s20+$0x0] =	vst.idx.msk $0xffff, v47;
	v34 =	vadd.f32 v47, v34  }
0x2e: {  	v36 =	vshll.u32 v36, v1;
	s29 =	sadd.s32 $0x100, s29;
	v41 =	vshrl.u32 v51, $0x3;
	v38 =	vshrl.u32 v45, $0x3  }
0x2f: {  	v43 =	vbroadcast v36, $0x0;
	v39 =	vadd.s32 v0, v37;
	v42 =	vshrl.u32 v48, $0x3;
	v35 =	vld [tilespmem:s29+$0xFFFFFF80]  }
0x30: {  	s30 =	sadd.s32 $0x8, s30;
	v45 =	vshll.u32 v49, v1;
	v44 =	vshll.u32 v50, v1;
	v37 =	vadd.s32 v2, v37;
	v36 =	vld [tilespmem:s29+$0xFFFFFF90]  }
0x31: {  	_ = 	snop  }
0x32: {  	v46 =	vld [tilespmem:s29+$0xFFFFFFA0];
	v47 =	vadd.s32 v3, v43;
	v45 =	vbroadcast v45, $0x0  }
0x33: {  	v48 =	vld [tilespmem:s29+$0xFFFFFFB0];
	v58 =	vadd.s32 v4, v43;
	v44 =	vbroadcast v44, $0x0  }
0x34: {  	v40 =	vshll.u32 v40, v1;
	v41 =	vshll.u32 v41, v1;
	v49 =	vld [tilespmem:s29+$0xFFFFFFC0];
	v50 =	vadd.s32 v5, v45  }
0x35: {  	v38 =	vshll.u32 v38, v1;
	v60 =	vld [tilespmem:s29+$0xFFFFFFE0];
	v40 =	vbroadcast v40, $0x0;
	v51 =	vadd.s32 v7, v44;
	[tilespmem:v39+s20+$0x0] =	vst.idx.msk $0xffff, v35  }
0x36: {  	v59 =	vld [tilespmem:s29+$0xFFFFFFD0];
	v41 =	vbroadcast v41, $0x0;
	v45 =	vadd.s32 v6, v45;
	v62 =	vadd.s32 v8, v44;
	[tilespmem:v37+s20+$0x0] =	vst.idx.msk $0xffff, v36  }
0x37: {  	v61 =	vld [tilespmem:s29+$0xFFFFFFF0];
	v33 =	vadd.f32 v35, v33;
	v34 =	vadd.f32 v36, v34;
	[tilespmem:v47+s20+$0x0] =	vst.idx.msk $0xffff, v46  }
0x38: {  	v52 =	vld [tilespmem:s29+$0x0];
	v63 =	vadd.s32 v9, v40;
	v54 =	vadd.s32 v11, v41;
	[tilespmem:v58+s20+$0x0] =	vst.idx.msk $0xffff, v48  }
0x39: {  	v55 =	vld [tilespmem:s29+$0x20];
	v33 =	vadd.f32 v46, v33;
	v34 =	vadd.f32 v48, v34;
	[tilespmem:v50+s20+$0x0] =	vst.idx.msk $0xffff, v49  }
0x3a: {  	v42 =	vshll.u32 v42, v1;
	v53 =	vld [tilespmem:s29+$0x10];
	v38 =	vbroadcast v38, $0x0;
	v40 =	vadd.s32 v10, v40;
	[tilespmem:v51+s20+$0x0] =	vst.idx.msk $0xffff, v60  }
0x3b: {  	v33 =	vadd.f32 v49, v33;
	[tilespmem:v45+s20+$0x0] =	vst.idx.msk $0xffff, v59;
	v34 =	vadd.f32 v59, v34  }
0x3c: {  	v56 =	vld [tilespmem:s29+$0x30];
	v41 =	vadd.s32 v12, v41;
	v57 =	vadd.s32 v13, v38;
	[tilespmem:v62+s20+$0x0] =	vst.idx.msk $0xffff, v61  }
0x3d: {  	v42 =	vbroadcast v42, $0x0;
	v58 =	vld [tilespmem:s29+$0x40];
	[tilespmem:v63+s20+$0x0] =	vst.idx.msk $0xffff, v52;
	v33 =	vadd.f32 v60, v33;
	v34 =	vadd.f32 v61, v34  }
0x3e: {  	v59 =	vld [tilespmem:s29+$0x50];
	[tilespmem:v54+s20+$0x0] =	vst.idx.msk $0xffff, v55;
	v60 =	vadd.s32 v14, v38  }
0x3f: {  	v62 =	vld [tilespmem:s29+$0x60];
	v61 =	vadd.s32 v15, v42;
	v33 =	vadd.f32 v52, v33;
	v34 =	vadd.f32 v53, v34  }
0x40: {  	v63 =	vld [tilespmem:s29+$0x70];
	[tilespmem:v40+s20+$0x0] =	vst.idx.msk $0xffff, v53;
	v42 =	vadd.s32 v16, v42  }
0x41: {  	[tilespmem:v41+s20+$0x0] =	vst.idx.msk $0xffff, v56;
	v33 =	vadd.f32 v55, v33;
	v34 =	vadd.f32 v56, v34  }
0x42: {  	[tilespmem:v57+s20+$0x0] =	vst.idx.msk $0xffff, v58  }
0x43: {  	[tilespmem:v60+s20+$0x0] =	vst.idx.msk $0xffff, v59;
	v33 =	vadd.f32 v58, v33;
	v34 =	vadd.f32 v59, v34  }
0x44: {  	s0 =	simm.s32 $0xE400;
	[tilespmem:v61+s20+$0x0] =	vst.idx.msk $0xffff, v62  }
0x45: {  	s15 =	sadd.s32 $0x0, s6;
	s1 =	simm.s32 $0xE608;
	s29 =	simm.s32 $0x800;
	[tilespmem:v42+s20+$0x0] =	vst.idx.msk $0xffff, v63;
	v33 =	vadd.f32 v62, v33;
	v34 =	vadd.f32 v63, v34  }
.LBB2_4:
0x46: {  	[hbm4b:s15+s2] =	stream.linear.scatter [tilespmem:s0], [sflag:$0x3], $0x200, $0x38;
	[tilespmem:$0x16610] =	vst v63  }
0x47: {  	s15 =	smov.u32 s29;
	s0 =	smov.u32 s1;
	p0 =	sne.s32 s29, $0xF800  }
.Ltmp1:
0x48: {  	s29 =	sadd.s32 $0x800, s29;
	(pc) =	sbr.rel @p0 .LBB2_4-.Ltmp1, $2  }
0x49: {  	_ =	sdelay $0x2  }
0x4a: {  	s1 =	sadd.s32 $0x208, s1;
	s15 =	sadd.s32 s15, s6  }
0x4b: {  	[hbm4b:s15+s2] =	stream.linear.scatter [tilespmem:s0], [sflag:$0x3], $0x200, $0x38;
	[tilespmem:$0x16610] =	vst v63  }
0x4c: {  	s1 =	simm.s32 $0x0;
	s15 =	simm.s32 $0x1;
	s22 =	simm.s32 $0x2  }
0x4d: {  	s31 =	simm.s32 $0x4;
	v35 =	vmov s1;
	v36 =	vmov s15;
	s1 =	simm.s32 $0x3;
	v37 =	vmov s22  }
0x4e: {  	v39 =	vmov s31;
	s15 =	simm.s32 $0x6;
	s22 =	simm.s32 $0x7;
	v35 =	vshrl.u32 v35, $0x3;
	v38 =	vmov s1  }
0x4f: {  	_ =	swait.ge [sflag:s21], $0x4000;
	v42 =	vmov s15;
	v44 =	vmov s22;
	v36 =	vshrl.u32 v36, $0x3  }
0x50: {  	s1 =	simm.s32 $0x5;
	[sflag:s21] =	ssyncset.done $0x0;
	v45 =	vshrl.u32 v37, $0x3;
	v39 =	vshrl.u32 v39, $0x3;
	v35 =	vshll.u32 v35, v1  }
0x51: {  	s29 =	simm.s32 $0xA4F0;
	s31 =	simm.s32 $0x400;
	v40 =	vmov s1;
	[sflag:s21] =	ssyncadd.s32 $0xFFFFC000;
	v46 =	vshrl.u32 v38, $0x3;
	v63 =	vbroadcast v35, $0x0  }
0x52: {  	v36 =	vshll.u32 v36, v1;
	v38 =	vshrl.u32 v42, $0x3;
	v42 =	vshrl.u32 v44, $0x3;
	[tilespmem:s17], [sflag:$0x1] =	stream.indirect.gather [hbm4b:s3+s14], $0x20, s31, s14, $0xb8;
	[tilespmem:$0x16610] =	vst v63  }
0x53: {  	v41 =	vshrl.u32 v40, $0x3;
	v43 =	vbroadcast v36, $0x0;
	v35 =	vld [tilespmem:s29+$0xFFFFFF10];
	v40 =	vadd.s32 v17, v63  }
0x54: {  	s30 =	simm.s32 $0x8;
	v45 =	vshll.u32 v45, v1;
	v44 =	vshll.u32 v46, v1;
	v36 =	vld [tilespmem:s29+$0xFFFFFF20];
	v37 =	vadd.s32 v18, v63  }
.LBB2_6:
0x55: {  	p0 =	slt.u32 s30, $0x1F8;
	v46 =	vld [tilespmem:s29+$0xFFFFFF30];
	v47 =	vadd.s32 v19, v43;
	v45 =	vbroadcast v45, $0x0;
	v39 =	vshll.u32 v39, v1  }
0x56: {  	v43 =	vadd.s32 v20, v43;
	v44 =	vbroadcast v44, $0x0;
	v41 =	vshll.u32 v41, v1;
	v48 =	vld [tilespmem:s29+$0xFFFFFF40]  }
0x57: {  	v38 =	vshll.u32 v38, v1;
	v42 =	vshll.u32 v42, v1;
	v49 =	vld [tilespmem:s29+$0xFFFFFF50];
	v50 =	vadd.s32 v21, v45  }
0x58: {  	v39 =	vbroadcast v39, $0x0;
	v45 =	vadd.s32 v22, v45;
	v51 =	vadd.s32 v23, v44;
	[tilespmem:v40+s20+$0x0] =	vst.idx.msk $0xffff, v35;
	v40 =	vld [tilespmem:s29+$0xFFFFFF60]  }
0x59: {  	v33 =	vadd.f32 v35, v33;
	[tilespmem:v37+s20+$0x0] =	vst.idx.msk $0xffff, v36;
	v34 =	vadd.f32 v36, v34;
	v35 =	vld [tilespmem:s29+$0xFFFFFF70]  }
0x5a: {  	v41 =	vbroadcast v41, $0x0;
	v37 =	vadd.s32 v24, v44;
	v44 =	vadd.s32 v25, v39;
	[tilespmem:v47+s20+$0x0] =	vst.idx.msk $0xffff, v46;
	v36 =	vld [tilespmem:s29+$0xFFFFFF80]  }
0x5b: {  	v33 =	vadd.f32 v46, v33;
	[tilespmem:v43+s20+$0x0] =	vst.idx.msk $0xffff, v48;
	v34 =	vadd.f32 v48, v34;
	v43 =	vld [tilespmem:s29+$0xFFFFFF90]  }
0x5c: {  	v38 =	vbroadcast v38, $0x0;
	v39 =	vadd.s32 v26, v39;
	v47 =	vadd.s32 v27, v41;
	[tilespmem:v50+s20+$0x0] =	vst.idx.msk $0xffff, v49;
	v46 =	vld [tilespmem:s29+$0xFFFFFFA0]  }
0x5d: {  	v48 =	vmov s30;
	v33 =	vadd.f32 v49, v33;
	[tilespmem:v45+s20+$0x0] =	vst.idx.msk $0xffff, v40;
	v34 =	vadd.f32 v40, v34;
	v40 =	vld [tilespmem:s29+$0xFFFFFFB0]  }
0x5e: {  	v42 =	vbroadcast v42, $0x0;
	v41 =	vadd.s32 v28, v41;
	v49 =	vadd.s32 v29, v38;
	[tilespmem:v51+s20+$0x0] =	vst.idx.msk $0xffff, v35;
	v45 =	vld [tilespmem:s29+$0xFFFFFFC0]  }
0x5f: {  	s0 =	sadd.s32 $0x1, s30;
	v48 =	vshrl.u32 v48, $0x3;
	v33 =	vadd.f32 v35, v33;
	[tilespmem:v37+s20+$0x0] =	vst.idx.msk $0xffff, v36;
	v34 =	vadd.f32 v36, v34;
	v35 =	vld [tilespmem:s29+$0xFFFFFFD0]  }
0x60: {  	v38 =	vadd.s32 v30, v38;
	v36 =	vmov s0;
	s0 =	sadd.s32 $0x2, s30;
	[tilespmem:v44+s20+$0x0] =	vst.idx.msk $0xffff, v43;
	v37 =	vld [tilespmem:s29+$0xFFFFFFE0];
	v44 =	vadd.s32 v31, v42  }
0x61: {  	s1 =	sadd.s32 $0x4, s30;
	v50 =	vmov s0;
	s0 =	sadd.s32 $0x3, s30;
	v33 =	vadd.f32 v43, v33;
	[tilespmem:v39+s20+$0x0] =	vst.idx.msk $0xffff, v46;
	v34 =	vadd.f32 v46, v34;
	v43 =	vld [tilespmem:s29+$0xFFFFFFF0]  }
0x62: {  	v42 =	vadd.s32 v32, v42;
	v39 =	vmov s0;
	v46 =	vmov s1;
	s0 =	sadd.s32 $0x5, s30;
	[tilespmem:v47+s20+$0x0] =	vst.idx.msk $0xffff, v40;
	v47 =	vld [tilespmem:s29+$0x0]  }
0x63: {  	s1 =	sadd.s32 $0x7, s30;
	v51 =	vmov s0;
	s0 =	sadd.s32 $0x6, s30;
	v33 =	vadd.f32 v40, v33;
	[tilespmem:v41+s20+$0x0] =	vst.idx.msk $0xffff, v45;
	v34 =	vadd.f32 v45, v34  }
0x64: {  	v40 =	vshll.u32 v48, v1;
	v48 =	vmov s1;
	v45 =	vmov s0;
	[tilespmem:v49+s20+$0x0] =	vst.idx.msk $0xffff, v35  }
0x65: {  	v36 =	vshrl.u32 v36, $0x3;
	v33 =	vadd.f32 v35, v33;
	[tilespmem:v38+s20+$0x0] =	vst.idx.msk $0xffff, v37;
	v34 =	vadd.f32 v37, v34  }
.Ltmp2:
0x66: {  	v49 =	vshrl.u32 v50, $0x3;
	v50 =	vshrl.u32 v39, $0x3;
	v39 =	vshrl.u32 v46, $0x3;
	[tilespmem:v44+s20+$0x0] =	vst.idx.msk $0xffff, v43;
	(pc) =	sbr.rel @p0 .LBB2_6-.Ltmp2, $4  }
0x67: {  	v37 =	vbroadcast v40, $0x0;
	v33 =	vadd.f32 v43, v33;
	[tilespmem:v42+s20+$0x0] =	vst.idx.msk $0xffff, v47;
	v34 =	vadd.f32 v47, v34  }
0x68: {  	v36 =	vshll.u32 v36, v1;
	s29 =	sadd.s32 $0x100, s29;
	v41 =	vshrl.u32 v51, $0x3;
	v38 =	vshrl.u32 v45, $0x3  }
0x69: {  	v43 =	vbroadcast v36, $0x0;
	v40 =	vadd.s32 v17, v37;
	v42 =	vshrl.u32 v48, $0x3;
	v35 =	vld [tilespmem:s29+$0xFFFFFF10]  }
0x6a: {  	s30 =	sadd.s32 $0x8, s30;
	v45 =	vshll.u32 v49, v1;
	v44 =	vshll.u32 v50, v1;
	v37 =	vadd.s32 v18, v37;
	v36 =	vld [tilespmem:s29+$0xFFFFFF20]  }
0x6b: {  	_ = 	snop  }
0x6c: {  	v46 =	vld [tilespmem:s29+$0xFFFFFF30];
	v47 =	vadd.s32 v19, v43;
	v45 =	vbroadcast v45, $0x0  }
0x6d: {  	v48 =	vld [tilespmem:s29+$0xFFFFFF40];
	v58 =	vadd.s32 v20, v43;
	v44 =	vbroadcast v44, $0x0  }
0x6e: {  	v39 =	vshll.u32 v39, v1;
	v41 =	vshll.u32 v41, v1;
	v49 =	vld [tilespmem:s29+$0xFFFFFF50];
	v50 =	vadd.s32 v21, v45  }
0x6f: {  	v38 =	vshll.u32 v38, v1;
	v60 =	vld [tilespmem:s29+$0xFFFFFF70];
	v39 =	vbroadcast v39, $0x0;
	v51 =	vadd.s32 v23, v44;
	[tilespmem:v40+s20+$0x0] =	vst.idx.msk $0xffff, v35  }
0x70: {  	v59 =	vld [tilespmem:s29+$0xFFFFFF60];
	v41 =	vbroadcast v41, $0x0;
	v45 =	vadd.s32 v22, v45;
	v62 =	vadd.s32 v24, v44;
	[tilespmem:v37+s20+$0x0] =	vst.idx.msk $0xffff, v36  }
0x71: {  	v61 =	vld [tilespmem:s29+$0xFFFFFF80];
	v33 =	vadd.f32 v35, v33;
	v34 =	vadd.f32 v36, v34;
	[tilespmem:v47+s20+$0x0] =	vst.idx.msk $0xffff, v46  }
0x72: {  	v52 =	vld [tilespmem:s29+$0xFFFFFF90];
	v63 =	vadd.s32 v25, v39;
	v54 =	vadd.s32 v27, v41;
	[tilespmem:v58+s20+$0x0] =	vst.idx.msk $0xffff, v48  }
0x73: {  	v55 =	vld [tilespmem:s29+$0xFFFFFFB0];
	v33 =	vadd.f32 v46, v33;
	v34 =	vadd.f32 v48, v34;
	[tilespmem:v50+s20+$0x0] =	vst.idx.msk $0xffff, v49  }
0x74: {  	v42 =	vshll.u32 v42, v1;
	v53 =	vld [tilespmem:s29+$0xFFFFFFA0];
	v38 =	vbroadcast v38, $0x0;
	v39 =	vadd.s32 v26, v39;
	[tilespmem:v51+s20+$0x0] =	vst.idx.msk $0xffff, v60  }
0x75: {  	v33 =	vadd.f32 v49, v33;
	[tilespmem:v45+s20+$0x0] =	vst.idx.msk $0xffff, v59;
	v34 =	vadd.f32 v59, v34  }
0x76: {  	v56 =	vld [tilespmem:s29+$0xFFFFFFC0];
	v41 =	vadd.s32 v28, v41;
	v57 =	vadd.s32 v29, v38;
	[tilespmem:v62+s20+$0x0] =	vst.idx.msk $0xffff, v61  }
0x77: {  	v42 =	vbroadcast v42, $0x0;
	v58 =	vld [tilespmem:s29+$0xFFFFFFD0];
	[tilespmem:v63+s20+$0x0] =	vst.idx.msk $0xffff, v52;
	v33 =	vadd.f32 v60, v33;
	v34 =	vadd.f32 v61, v34  }
0x78: {  	v59 =	vld [tilespmem:s29+$0xFFFFFFE0];
	[tilespmem:v54+s20+$0x0] =	vst.idx.msk $0xffff, v55;
	v60 =	vadd.s32 v30, v38  }
0x79: {  	v62 =	vld [tilespmem:s29+$0xFFFFFFF0];
	v61 =	vadd.s32 v31, v42;
	v33 =	vadd.f32 v52, v33;
	v34 =	vadd.f32 v53, v34  }
0x7a: {  	v63 =	vld [tilespmem:s29+$0x0];
	[tilespmem:v39+s20+$0x0] =	vst.idx.msk $0xffff, v53;
	v42 =	vadd.s32 v32, v42  }
0x7b: {  	[tilespmem:v41+s20+$0x0] =	vst.idx.msk $0xffff, v56;
	v33 =	vadd.f32 v55, v33;
	v34 =	vadd.f32 v56, v34  }
0x7c: {  	[tilespmem:v57+s20+$0x0] =	vst.idx.msk $0xffff, v58  }
0x7d: {  	[tilespmem:v60+s20+$0x0] =	vst.idx.msk $0xffff, v59;
	v33 =	vadd.f32 v58, v33;
	v34 =	vadd.f32 v59, v34  }
0x7e: {  	s0 =	simm.s32 $0x12500;
	[tilespmem:v61+s20+$0x0] =	vst.idx.msk $0xffff, v62  }
0x7f: {  	s15 =	sadd.s32 $0x0, s8;
	s1 =	simm.s32 $0x12708;
	s29 =	simm.s32 $0x800;
	[tilespmem:v42+s20+$0x0] =	vst.idx.msk $0xffff, v63;
	v33 =	vadd.f32 v62, v33;
	v34 =	vadd.f32 v63, v34  }
.LBB2_8:
0x80: {  	[hbm4b:s15+s2] =	stream.linear.scatter [tilespmem:s0], [sflag:$0x4], $0x200, $0x38;
	[tilespmem:$0x16610] =	vst v63  }
0x81: {  	s15 =	smov.u32 s29;
	s0 =	smov.u32 s1;
	p0 =	sne.s32 s29, $0xF800  }
.Ltmp3:
0x82: {  	s29 =	sadd.s32 $0x800, s29;
	(pc) =	sbr.rel @p0 .LBB2_8-.Ltmp3, $2  }
0x83: {  	_ =	sdelay $0x2  }
0x84: {  	s1 =	sadd.s32 $0x208, s1;
	s15 =	sadd.s32 s15, s8  }
0x85: {  	[hbm4b:s15+s2] =	stream.linear.scatter [tilespmem:s0], [sflag:$0x4], $0x200, $0x38;
	[tilespmem:$0x16610] =	vst v63  }
0x86: {  	s1 =	simm.s32 $0x0;
	s15 =	simm.s32 $0x1  }
0x87: {  	s22 =	simm.s32 $0x2;
	s31 =	simm.s32 $0x4;
	_ =	swait.ge [sflag:s18], $0x4000  }
0x88: {  	v35 =	vmov s1;
	v36 =	vmov s15;
	s1 =	simm.s32 $0x3;
	v37 =	vmov s22;
	s15 =	simm.s32 $0x5;
	[sflag:s18] =	ssyncset.done $0x0  }
0x89: {  	v39 =	vmov s31;
	s22 =	simm.s32 $0x6;
	s31 =	simm.s32 $0x7;
	v38 =	vmov s1;
	v40 =	vmov s15;
	[sflag:s18] =	ssyncadd.s32 $0xFFFFC000  }
0x8a: {  	v35 =	vshrl.u32 v35, $0x3;
	v42 =	vmov s22;
	v44 =	vmov s31;
	[tilespmem:s19], [sflag:$0x2] =	stream.indirect.gather [hbm4b:s3+s14], $0x20, s23, s14, $0xb8;
	[tilespmem:$0x16610] =	vst v63  }
0x8b: {  	v36 =	vshrl.u32 v36, $0x3;
	v45 =	vshrl.u32 v37, $0x3;
	v35 =	vshll.u32 v35, v1;
	_ =	swait.ge [sflag:s24], $0x4000  }
0x8c: {  	v46 =	vshrl.u32 v38, $0x3;
	v38 =	vshrl.u32 v39, $0x3;
	v63 =	vbroadcast v35, $0x0;
	[sflag:s24] =	ssyncset.done $0x0  }
0x8d: {  	s29 =	simm.s32 $0x6480;
	v36 =	vshll.u32 v36, v1;
	v41 =	vshrl.u32 v40, $0x3;
	v39 =	vshrl.u32 v42, $0x3;
	[sflag:s24] =	ssyncadd.s32 $0xFFFFC000  }
0x8e: {  	v42 =	vshrl.u32 v44, $0x3;
	v43 =	vbroadcast v36, $0x0;
	v40 =	vadd.s32 v0, v63;
	v35 =	vld [tilespmem:s29+$0xFFFFFF80]  }
0x8f: {  	s30 =	simm.s32 $0x8;
	v45 =	vshll.u32 v45, v1;
	v44 =	vshll.u32 v46, v1;
	v37 =	vadd.s32 v2, v63;
	v36 =	vld [tilespmem:s29+$0xFFFFFF90]  }
.LBB2_10:
0x90: {  	p0 =	slt.u32 s30, $0x1F8;
	v46 =	vld [tilespmem:s29+$0xFFFFFFA0];
	v47 =	vadd.s32 v3, v43;
	v45 =	vbroadcast v45, $0x0;
	v38 =	vshll.u32 v38, v1  }
0x91: {  	v43 =	vadd.s32 v4, v43;
	v44 =	vbroadcast v44, $0x0;
	v41 =	vshll.u32 v41, v1;
	v48 =	vld [tilespmem:s29+$0xFFFFFFB0]  }
0x92: {  	v39 =	vshll.u32 v39, v1;
	v42 =	vshll.u32 v42, v1;
	v49 =	vld [tilespmem:s29+$0xFFFFFFC0];
	v50 =	vadd.s32 v5, v45  }
0x93: {  	v38 =	vbroadcast v38, $0x0;
	v45 =	vadd.s32 v6, v45;
	v51 =	vadd.s32 v7, v44;
	[tilespmem:v40+s20+$0x0] =	vst.idx.msk $0xffff, v35;
	v40 =	vld [tilespmem:s29+$0xFFFFFFD0]  }
0x94: {  	v33 =	vadd.f32 v35, v33;
	[tilespmem:v37+s20+$0x0] =	vst.idx.msk $0xffff, v36;
	v34 =	vadd.f32 v36, v34;
	v35 =	vld [tilespmem:s29+$0xFFFFFFE0]  }
0x95: {  	v41 =	vbroadcast v41, $0x0;
	v37 =	vadd.s32 v8, v44;
	v44 =	vadd.s32 v9, v38;
	[tilespmem:v47+s20+$0x0] =	vst.idx.msk $0xffff, v46;
	v36 =	vld [tilespmem:s29+$0xFFFFFFF0]  }
0x96: {  	v33 =	vadd.f32 v46, v33;
	[tilespmem:v43+s20+$0x0] =	vst.idx.msk $0xffff, v48;
	v34 =	vadd.f32 v48, v34;
	v43 =	vld [tilespmem:s29+$0x0]  }
0x97: {  	v39 =	vbroadcast v39, $0x0;
	v38 =	vadd.s32 v10, v38;
	v47 =	vadd.s32 v11, v41;
	[tilespmem:v50+s20+$0x0] =	vst.idx.msk $0xffff, v49;
	v46 =	vld [tilespmem:s29+$0x10]  }
0x98: {  	v48 =	vmov s30;
	v33 =	vadd.f32 v49, v33;
	[tilespmem:v45+s20+$0x0] =	vst.idx.msk $0xffff, v40;
	v34 =	vadd.f32 v40, v34;
	v40 =	vld [tilespmem:s29+$0x20]  }
0x99: {  	v42 =	vbroadcast v42, $0x0;
	v41 =	vadd.s32 v12, v41;
	v49 =	vadd.s32 v13, v39;
	[tilespmem:v51+s20+$0x0] =	vst.idx.msk $0xffff, v35;
	v45 =	vld [tilespmem:s29+$0x30]  }
0x9a: {  	s0 =	sadd.s32 $0x1, s30;
	v48 =	vshrl.u32 v48, $0x3;
	v33 =	vadd.f32 v35, v33;
	[tilespmem:v37+s20+$0x0] =	vst.idx.msk $0xffff, v36;
	v34 =	vadd.f32 v36, v34;
	v35 =	vld [tilespmem:s29+$0x40]  }
0x9b: {  	v39 =	vadd.s32 v14, v39;
	v36 =	vmov s0;
	s0 =	sadd.s32 $0x2, s30;
	[tilespmem:v44+s20+$0x0] =	vst.idx.msk $0xffff, v43;
	v37 =	vld [tilespmem:s29+$0x50];
	v44 =	vadd.s32 v15, v42  }
0x9c: {  	s1 =	sadd.s32 $0x4, s30;
	v50 =	vmov s0;
	s0 =	sadd.s32 $0x3, s30;
	v33 =	vadd.f32 v43, v33;
	[tilespmem:v38+s20+$0x0] =	vst.idx.msk $0xffff, v46;
	v34 =	vadd.f32 v46, v34;
	v43 =	vld [tilespmem:s29+$0x60]  }
0x9d: {  	v42 =	vadd.s32 v16, v42;
	v38 =	vmov s0;
	v46 =	vmov s1;
	s0 =	sadd.s32 $0x5, s30;
	[tilespmem:v47+s20+$0x0] =	vst.idx.msk $0xffff, v40;
	v47 =	vld [tilespmem:s29+$0x70]  }
0x9e: {  	s1 =	sadd.s32 $0x7, s30;
	v51 =	vmov s0;
	s0 =	sadd.s32 $0x6, s30;
	v33 =	vadd.f32 v40, v33;
	[tilespmem:v41+s20+$0x0] =	vst.idx.msk $0xffff, v45;
	v34 =	vadd.f32 v45, v34  }
0x9f: {  	v40 =	vshll.u32 v48, v1;
	v48 =	vmov s1;
	v45 =	vmov s0;
	[tilespmem:v49+s20+$0x0] =	vst.idx.msk $0xffff, v35  }
0xa0: {  	v36 =	vshrl.u32 v36, $0x3;
	v33 =	vadd.f32 v35, v33;
	[tilespmem:v39+s20+$0x0] =	vst.idx.msk $0xffff, v37;
	v34 =	vadd.f32 v37, v34  }
.Ltmp4:
0xa1: {  	v49 =	vshrl.u32 v50, $0x3;
	v50 =	vshrl.u32 v38, $0x3;
	v38 =	vshrl.u32 v46, $0x3;
	[tilespmem:v44+s20+$0x0] =	vst.idx.msk $0xffff, v43;
	(pc) =	sbr.rel @p0 .LBB2_10-.Ltmp4, $4  }
0xa2: {  	v37 =	vbroadcast v40, $0x0;
	v33 =	vadd.f32 v43, v33;
	[tilespmem:v42+s20+$0x0] =	vst.idx.msk $0xffff, v47;
	v34 =	vadd.f32 v47, v34  }
0xa3: {  	v36 =	vshll.u32 v36, v1;
	s29 =	sadd.s32 $0x100, s29;
	v41 =	vshrl.u32 v51, $0x3;
	v39 =	vshrl.u32 v45, $0x3  }
0xa4: {  	v43 =	vbroadcast v36, $0x0;
	v40 =	vadd.s32 v0, v37;
	v42 =	vshrl.u32 v48, $0x3;
	v35 =	vld [tilespmem:s29+$0xFFFFFF80]  }
0xa5: {  	s30 =	sadd.s32 $0x8, s30;
	v45 =	vshll.u32 v49, v1;
	v44 =	vshll.u32 v50, v1;
	v37 =	vadd.s32 v2, v37;
	v36 =	vld [tilespmem:s29+$0xFFFFFF90]  }
0xa6: {  	_ = 	snop  }
0xa7: {  	v46 =	vld [tilespmem:s29+$0xFFFFFFA0];
	v47 =	vadd.s32 v3, v43;
	v45 =	vbroadcast v45, $0x0  }
0xa8: {  	v48 =	vld [tilespmem:s29+$0xFFFFFFB0];
	v58 =	vadd.s32 v4, v43;
	v44 =	vbroadcast v44, $0x0  }
0xa9: {  	v38 =	vshll.u32 v38, v1;
	v41 =	vshll.u32 v41, v1;
	v49 =	vld [tilespmem:s29+$0xFFFFFFC0];
	v50 =	vadd.s32 v5, v45  }
0xaa: {  	v39 =	vshll.u32 v39, v1;
	v60 =	vld [tilespmem:s29+$0xFFFFFFE0];
	v38 =	vbroadcast v38, $0x0;
	v51 =	vadd.s32 v7, v44;
	[tilespmem:v40+s20+$0x0] =	vst.idx.msk $0xffff, v35  }
0xab: {  	v59 =	vld [tilespmem:s29+$0xFFFFFFD0];
	v41 =	vbroadcast v41, $0x0;
	v45 =	vadd.s32 v6, v45;
	v62 =	vadd.s32 v8, v44;
	[tilespmem:v37+s20+$0x0] =	vst.idx.msk $0xffff, v36  }
0xac: {  	v61 =	vld [tilespmem:s29+$0xFFFFFFF0];
	v33 =	vadd.f32 v35, v33;
	v34 =	vadd.f32 v36, v34;
	[tilespmem:v47+s20+$0x0] =	vst.idx.msk $0xffff, v46  }
0xad: {  	v52 =	vld [tilespmem:s29+$0x0];
	v63 =	vadd.s32 v9, v38;
	v54 =	vadd.s32 v11, v41;
	[tilespmem:v58+s20+$0x0] =	vst.idx.msk $0xffff, v48  }
0xae: {  	v55 =	vld [tilespmem:s29+$0x20];
	v33 =	vadd.f32 v46, v33;
	v34 =	vadd.f32 v48, v34;
	[tilespmem:v50+s20+$0x0] =	vst.idx.msk $0xffff, v49  }
0xaf: {  	v42 =	vshll.u32 v42, v1;
	v53 =	vld [tilespmem:s29+$0x10];
	v39 =	vbroadcast v39, $0x0;
	v38 =	vadd.s32 v10, v38;
	[tilespmem:v51+s20+$0x0] =	vst.idx.msk $0xffff, v60  }
0xb0: {  	v33 =	vadd.f32 v49, v33;
	[tilespmem:v45+s20+$0x0] =	vst.idx.msk $0xffff, v59;
	v34 =	vadd.f32 v59, v34  }
0xb1: {  	v56 =	vld [tilespmem:s29+$0x30];
	v41 =	vadd.s32 v12, v41;
	v57 =	vadd.s32 v13, v39;
	[tilespmem:v62+s20+$0x0] =	vst.idx.msk $0xffff, v61  }
0xb2: {  	v42 =	vbroadcast v42, $0x0;
	v58 =	vld [tilespmem:s29+$0x40];
	[tilespmem:v63+s20+$0x0] =	vst.idx.msk $0xffff, v52;
	v33 =	vadd.f32 v60, v33;
	v34 =	vadd.f32 v61, v34  }
0xb3: {  	v59 =	vld [tilespmem:s29+$0x50];
	[tilespmem:v54+s20+$0x0] =	vst.idx.msk $0xffff, v55;
	v60 =	vadd.s32 v14, v39  }
0xb4: {  	v62 =	vld [tilespmem:s29+$0x60];
	v61 =	vadd.s32 v15, v42;
	v33 =	vadd.f32 v52, v33;
	v34 =	vadd.f32 v53, v34  }
0xb5: {  	v63 =	vld [tilespmem:s29+$0x70];
	[tilespmem:v38+s20+$0x0] =	vst.idx.msk $0xffff, v53;
	v42 =	vadd.s32 v16, v42  }
0xb6: {  	[tilespmem:v41+s20+$0x0] =	vst.idx.msk $0xffff, v56;
	v33 =	vadd.f32 v55, v33;
	v34 =	vadd.f32 v56, v34  }
0xb7: {  	[tilespmem:v57+s20+$0x0] =	vst.idx.msk $0xffff, v58  }
0xb8: {  	[tilespmem:v60+s20+$0x0] =	vst.idx.msk $0xffff, v59;
	v33 =	vadd.f32 v58, v33;
	v34 =	vadd.f32 v59, v34  }
0xb9: {  	s0 =	simm.s32 $0xE400;
	s30 =	simm.s32 $0x800;
	[tilespmem:v61+s20+$0x0] =	vst.idx.msk $0xffff, v62  }
0xba: {  	s15 =	sadd.s32 $0x0, s9;
	s1 =	simm.s32 $0xE608;
	s29 =	simm.s32 $0x0;
	[tilespmem:v42+s20+$0x0] =	vst.idx.msk $0xffff, v63;
	v33 =	vadd.f32 v62, v33;
	v34 =	vadd.f32 v63, v34  }
.LBB2_12:
0xbb: {  	[hbm4b:s15+s29] =	stream.linear.scatter [tilespmem:s0], [sflag:$0x3], $0x200, $0x38;
	[tilespmem:$0x16610] =	vst v63  }
0xbc: {  	s15 =	smov.u32 s30;
	s0 =	smov.u32 s1;
	p0 =	sne.s32 s30, $0xF800  }
.Ltmp5:
0xbd: {  	s30 =	sadd.s32 $0x800, s30;
	(pc) =	sbr.rel @p0 .LBB2_12-.Ltmp5, $2  }
0xbe: {  	_ =	sdelay $0x2  }
0xbf: {  	s1 =	sadd.s32 $0x208, s1;
	s15 =	sadd.s32 s15, s9  }
0xc0: {  	[hbm4b:s15+s29] =	stream.linear.scatter [tilespmem:s0], [sflag:$0x3], $0x200, $0x38;
	[tilespmem:$0x16610] =	vst v63  }
.LBB2_14:
0xc1: {  	s0 =	sshll.u32 s29, $0x1;
	_ =	swait.ge [sflag:s21], $0x4000;
	s1 =	simm.s32 $0x0  }
0xc2: {  	s15 =	simm.s32 $0x1;
	s22 =	simm.s32 $0x2;
	s30 =	sadd.s32 $0x4, s0  }
0xc3: {  	[sflag:s21] =	ssyncset.done $0x0;
	v35 =	vmov s1;
	v36 =	vmov s15;
	s1 =	simm.s32 $0x3;
	s15 =	simm.s32 $0x4  }
0xc4: {  	v37 =	vmov s22;
	s22 =	simm.s32 $0x7;
	s0 =	sshll.u32 s30, $0x9;
	[sflag:s21] =	ssyncadd.s32 $0xFFFFC000  }
0xc5: {  	v35 =	vshrl.u32 v35, $0x3;
	v38 =	vmov s1;
	v39 =	vmov s15;
	s1 =	simm.s32 $0x5;
	s15 =	simm.s32 $0x6;
	s0 =	sand.u32 $0x3FFFFC00, s0  }
0xc6: {  	v44 =	vmov s22;
	v36 =	vshrl.u32 v36, $0x3;
	v45 =	vshrl.u32 v37, $0x3;
	[tilespmem:s17], [sflag:$0x1] =	stream.indirect.gather [hbm4b:s3+s14], $0x20, s0, s14, $0xb8;
	[tilespmem:$0x16610] =	vst v63  }
0xc7: {  	v40 =	vmov s1;
	v35 =	vshll.u32 v35, v1;
	v42 =	vmov s15;
	_ =	swait.ge [sflag:s25], $0x4000  }
0xc8: {  	v46 =	vshrl.u32 v38, $0x3;
	v38 =	vshrl.u32 v39, $0x3;
	v63 =	vbroadcast v35, $0x0;
	[sflag:s25] =	ssyncset.done $0x0  }
0xc9: {  	s31 =	simm.s32 $0xA4F0;
	v36 =	vshll.u32 v36, v1;
	v45 =	vshll.u32 v45, v1;
	v41 =	vshrl.u32 v40, $0x3;
	[sflag:s25] =	ssyncadd.s32 $0xFFFFC000  }
0xca: {  	v39 =	vshrl.u32 v42, $0x3;
	v43 =	vbroadcast v36, $0x0;
	v40 =	vadd.s32 v17, v63;
	v35 =	vld [tilespmem:s31+$0xFFFFFF10]  }
0xcb: {  	v42 =	vshrl.u32 v44, $0x3;
	v44 =	vshll.u32 v46, v1;
	s0 =	simm.s32 $0x8;
	v37 =	vadd.s32 v18, v63;
	v36 =	vld [tilespmem:s31+$0xFFFFFF20]  }
.LBB2_15:
0xcc: {  	p0 =	slt.u32 s0, $0x1F8;
	v46 =	vld [tilespmem:s31+$0xFFFFFF30];
	v47 =	vadd.s32 v19, v43;
	v45 =	vbroadcast v45, $0x0;
	v38 =	vshll.u32 v38, v1  }
0xcd: {  	v43 =	vadd.s32 v20, v43;
	v44 =	vbroadcast v44, $0x0;
	v41 =	vshll.u32 v41, v1;
	v48 =	vld [tilespmem:s31+$0xFFFFFF40]  }
0xce: {  	v39 =	vshll.u32 v39, v1;
	v42 =	vshll.u32 v42, v1;
	v49 =	vld [tilespmem:s31+$0xFFFFFF50];
	v50 =	vadd.s32 v21, v45  }
0xcf: {  	v38 =	vbroadcast v38, $0x0;
	v45 =	vadd.s32 v22, v45;
	v51 =	vadd.s32 v23, v44;
	[tilespmem:v40+s20+$0x0] =	vst.idx.msk $0xffff, v35;
	v40 =	vld [tilespmem:s31+$0xFFFFFF60]  }
0xd0: {  	v33 =	vadd.f32 v35, v33;
	[tilespmem:v37+s20+$0x0] =	vst.idx.msk $0xffff, v36;
	v34 =	vadd.f32 v36, v34;
	v35 =	vld [tilespmem:s31+$0xFFFFFF70]  }
0xd1: {  	v41 =	vbroadcast v41, $0x0;
	v37 =	vadd.s32 v24, v44;
	v44 =	vadd.s32 v25, v38;
	[tilespmem:v47+s20+$0x0] =	vst.idx.msk $0xffff, v46;
	v36 =	vld [tilespmem:s31+$0xFFFFFF80]  }
0xd2: {  	v33 =	vadd.f32 v46, v33;
	[tilespmem:v43+s20+$0x0] =	vst.idx.msk $0xffff, v48;
	v34 =	vadd.f32 v48, v34;
	v43 =	vld [tilespmem:s31+$0xFFFFFF90]  }
0xd3: {  	v39 =	vbroadcast v39, $0x0;
	v38 =	vadd.s32 v26, v38;
	v47 =	vadd.s32 v27, v41;
	[tilespmem:v50+s20+$0x0] =	vst.idx.msk $0xffff, v49;
	v46 =	vld [tilespmem:s31+$0xFFFFFFA0]  }
0xd4: {  	v48 =	vmov s0;
	v33 =	vadd.f32 v49, v33;
	[tilespmem:v45+s20+$0x0] =	vst.idx.msk $0xffff, v40;
	v34 =	vadd.f32 v40, v34;
	v40 =	vld [tilespmem:s31+$0xFFFFFFB0]  }
0xd5: {  	v42 =	vbroadcast v42, $0x0;
	v41 =	vadd.s32 v28, v41;
	v49 =	vadd.s32 v29, v39;
	[tilespmem:v51+s20+$0x0] =	vst.idx.msk $0xffff, v35;
	v45 =	vld [tilespmem:s31+$0xFFFFFFC0]  }
0xd6: {  	s1 =	sadd.s32 $0x1, s0;
	v48 =	vshrl.u32 v48, $0x3;
	v33 =	vadd.f32 v35, v33;
	[tilespmem:v37+s20+$0x0] =	vst.idx.msk $0xffff, v36;
	v34 =	vadd.f32 v36, v34;
	v35 =	vld [tilespmem:s31+$0xFFFFFFD0]  }
0xd7: {  	v39 =	vadd.s32 v30, v39;
	v36 =	vmov s1;
	s1 =	sadd.s32 $0x2, s0;
	[tilespmem:v44+s20+$0x0] =	vst.idx.msk $0xffff, v43;
	v37 =	vld [tilespmem:s31+$0xFFFFFFE0];
	v44 =	vadd.s32 v31, v42  }
0xd8: {  	s15 =	sadd.s32 $0x4, s0;
	v50 =	vmov s1;
	s1 =	sadd.s32 $0x3, s0;
	v33 =	vadd.f32 v43, v33;
	[tilespmem:v38+s20+$0x0] =	vst.idx.msk $0xffff, v46;
	v34 =	vadd.f32 v46, v34;
	v43 =	vld [tilespmem:s31+$0xFFFFFFF0]  }
0xd9: {  	v42 =	vadd.s32 v32, v42;
	v38 =	vmov s1;
	v46 =	vmov s15;
	s1 =	sadd.s32 $0x5, s0;
	[tilespmem:v47+s20+$0x0] =	vst.idx.msk $0xffff, v40;
	v47 =	vld [tilespmem:s31+$0x0]  }
0xda: {  	s15 =	sadd.s32 $0x7, s0;
	v51 =	vmov s1;
	s1 =	sadd.s32 $0x6, s0;
	v33 =	vadd.f32 v40, v33;
	[tilespmem:v41+s20+$0x0] =	vst.idx.msk $0xffff, v45;
	v34 =	vadd.f32 v45, v34  }
0xdb: {  	v40 =	vshll.u32 v48, v1;
	v48 =	vmov s15;
	v45 =	vmov s1;
	[tilespmem:v49+s20+$0x0] =	vst.idx.msk $0xffff, v35  }
0xdc: {  	v36 =	vshrl.u32 v36, $0x3;
	v33 =	vadd.f32 v35, v33;
	[tilespmem:v39+s20+$0x0] =	vst.idx.msk $0xffff, v37;
	v34 =	vadd.f32 v37, v34  }
.Ltmp6:
0xdd: {  	v49 =	vshrl.u32 v50, $0x3;
	v50 =	vshrl.u32 v38, $0x3;
	v38 =	vshrl.u32 v46, $0x3;
	[tilespmem:v44+s20+$0x0] =	vst.idx.msk $0xffff, v43;
	(pc) =	sbr.rel @p0 .LBB2_15-.Ltmp6, $4  }
0xde: {  	v37 =	vbroadcast v40, $0x0;
	v33 =	vadd.f32 v43, v33;
	[tilespmem:v42+s20+$0x0] =	vst.idx.msk $0xffff, v47;
	v34 =	vadd.f32 v47, v34  }
0xdf: {  	v36 =	vshll.u32 v36, v1;
	s31 =	sadd.s32 $0x100, s31;
	v41 =	vshrl.u32 v51, $0x3;
	v39 =	vshrl.u32 v45, $0x3  }
0xe0: {  	v43 =	vbroadcast v36, $0x0;
	v40 =	vadd.s32 v17, v37;
	v42 =	vshrl.u32 v48, $0x3;
	v35 =	vld [tilespmem:s31+$0xFFFFFF10]  }
0xe1: {  	s0 =	sadd.s32 $0x8, s0;
	v45 =	vshll.u32 v49, v1;
	v44 =	vshll.u32 v50, v1;
	v37 =	vadd.s32 v18, v37;
	v36 =	vld [tilespmem:s31+$0xFFFFFF20]  }
0xe2: {  	_ = 	snop  }
0xe3: {  	v46 =	vld [tilespmem:s31+$0xFFFFFF30];
	v47 =	vadd.s32 v19, v43;
	v45 =	vbroadcast v45, $0x0  }
0xe4: {  	v48 =	vld [tilespmem:s31+$0xFFFFFF40];
	v58 =	vadd.s32 v20, v43;
	v44 =	vbroadcast v44, $0x0  }
0xe5: {  	v38 =	vshll.u32 v38, v1;
	v41 =	vshll.u32 v41, v1;
	v49 =	vld [tilespmem:s31+$0xFFFFFF50];
	v50 =	vadd.s32 v21, v45  }
0xe6: {  	v39 =	vshll.u32 v39, v1;
	v60 =	vld [tilespmem:s31+$0xFFFFFF70];
	v38 =	vbroadcast v38, $0x0;
	v51 =	vadd.s32 v23, v44;
	[tilespmem:v40+s20+$0x0] =	vst.idx.msk $0xffff, v35  }
0xe7: {  	v59 =	vld [tilespmem:s31+$0xFFFFFF60];
	v41 =	vbroadcast v41, $0x0;
	v45 =	vadd.s32 v22, v45;
	v62 =	vadd.s32 v24, v44;
	[tilespmem:v37+s20+$0x0] =	vst.idx.msk $0xffff, v36  }
0xe8: {  	v61 =	vld [tilespmem:s31+$0xFFFFFF80];
	v33 =	vadd.f32 v35, v33;
	v34 =	vadd.f32 v36, v34;
	[tilespmem:v47+s20+$0x0] =	vst.idx.msk $0xffff, v46  }
0xe9: {  	v52 =	vld [tilespmem:s31+$0xFFFFFF90];
	v63 =	vadd.s32 v25, v38;
	v54 =	vadd.s32 v27, v41;
	[tilespmem:v58+s20+$0x0] =	vst.idx.msk $0xffff, v48  }
0xea: {  	v55 =	vld [tilespmem:s31+$0xFFFFFFB0];
	v33 =	vadd.f32 v46, v33;
	v34 =	vadd.f32 v48, v34;
	[tilespmem:v50+s20+$0x0] =	vst.idx.msk $0xffff, v49  }
0xeb: {  	v42 =	vshll.u32 v42, v1;
	v53 =	vld [tilespmem:s31+$0xFFFFFFA0];
	v39 =	vbroadcast v39, $0x0;
	v38 =	vadd.s32 v26, v38;
	[tilespmem:v51+s20+$0x0] =	vst.idx.msk $0xffff, v60  }
0xec: {  	v33 =	vadd.f32 v49, v33;
	[tilespmem:v45+s20+$0x0] =	vst.idx.msk $0xffff, v59;
	v34 =	vadd.f32 v59, v34  }
0xed: {  	v56 =	vld [tilespmem:s31+$0xFFFFFFC0];
	v41 =	vadd.s32 v28, v41;
	v57 =	vadd.s32 v29, v39;
	[tilespmem:v62+s20+$0x0] =	vst.idx.msk $0xffff, v61  }
0xee: {  	v42 =	vbroadcast v42, $0x0;
	v58 =	vld [tilespmem:s31+$0xFFFFFFD0];
	[tilespmem:v63+s20+$0x0] =	vst.idx.msk $0xffff, v52;
	v33 =	vadd.f32 v60, v33;
	v34 =	vadd.f32 v61, v34  }
0xef: {  	v59 =	vld [tilespmem:s31+$0xFFFFFFE0];
	[tilespmem:v54+s20+$0x0] =	vst.idx.msk $0xffff, v55;
	v60 =	vadd.s32 v30, v39  }
0xf0: {  	v62 =	vld [tilespmem:s31+$0xFFFFFFF0];
	v61 =	vadd.s32 v31, v42;
	v33 =	vadd.f32 v52, v33;
	v34 =	vadd.f32 v53, v34  }
0xf1: {  	v63 =	vld [tilespmem:s31+$0x0];
	[tilespmem:v38+s20+$0x0] =	vst.idx.msk $0xffff, v53;
	v42 =	vadd.s32 v32, v42  }
0xf2: {  	s0 =	sshll.u32 s29, $0x14;
	[tilespmem:v41+s20+$0x0] =	vst.idx.msk $0xffff, v56;
	v33 =	vadd.f32 v55, v33;
	v34 =	vadd.f32 v56, v34  }
0xf3: {  	s0 =	sadd.s32 s10, s0;
	[tilespmem:v57+s20+$0x0] =	vst.idx.msk $0xffff, v58  }
0xf4: {  	s0 =	sshrl.u32 s0, $0x3;
	[tilespmem:v60+s20+$0x0] =	vst.idx.msk $0xffff, v59;
	v33 =	vadd.f32 v58, v33;
	v34 =	vadd.f32 v59, v34  }
0xf5: {  	s1 =	simm.s32 $0x800;
	s0 =	sadd.s32 s4, s0;
	[tilespmem:v61+s20+$0x0] =	vst.idx.msk $0xffff, v62  }
0xf6: {  	s15 =	simm.s32 $0x12708;
	s22 =	sadd.s32 $0x0, s0;
	s31 =	simm.s32 $0x12500;
	[tilespmem:v42+s20+$0x0] =	vst.idx.msk $0xffff, v63;
	v33 =	vadd.f32 v62, v33;
	v34 =	vadd.f32 v63, v34  }
.LBB2_17:
0xf7: {  	[hbm4b:s22+s2] =	stream.linear.scatter [tilespmem:s31], [sflag:$0x4], $0x200, $0x38;
	[tilespmem:$0x16610] =	vst v63  }
0xf8: {  	s22 =	smov.u32 s1;
	s31 =	smov.u32 s15;
	p0 =	sne.s32 s1, $0xF800  }
.Ltmp7:
0xf9: {  	s1 =	sadd.s32 $0x800, s1;
	(pc) =	sbr.rel @p0 .LBB2_17-.Ltmp7, $2  }
0xfa: {  	_ =	sdelay $0x2  }
0xfb: {  	s15 =	sadd.s32 $0x208, s15;
	s22 =	sadd.s32 s22, s0  }
0xfc: {  	[hbm4b:s22+s2] =	stream.linear.scatter [tilespmem:s31], [sflag:$0x4], $0x200, $0x38;
	[tilespmem:$0x16610] =	vst v63  }
0xfd: {  	s0 =	sshll.u32 s29, $0xA;
	s1 =	simm.s32 $0x0  }
0xfe: {  	s15 =	simm.s32 $0x1;
	s22 =	simm.s32 $0x2;
	_ =	swait.ge [sflag:s18], $0x4000  }
0xff: {  	s0 =	sand.u32 $0x3FFFFC00, s0;
	v35 =	vmov s1;
	v36 =	vmov s15;
	s1 =	simm.s32 $0x3;
	s15 =	simm.s32 $0x4  }
0x100: {  	v37 =	vmov s22;
	s22 =	simm.s32 $0x7;
	[sflag:s18] =	ssyncset.done $0x0;
	s0 =	sadd.s32 $0xA00, s0  }
0x101: {  	v35 =	vshrl.u32 v35, $0x3;
	v38 =	vmov s1;
	v39 =	vmov s15;
	s1 =	simm.s32 $0x5;
	s15 =	simm.s32 $0x6;
	[sflag:s18] =	ssyncadd.s32 $0xFFFFC000  }
0x102: {  	v44 =	vmov s22;
	v36 =	vshrl.u32 v36, $0x3;
	v45 =	vshrl.u32 v37, $0x3;
	[tilespmem:s19], [sflag:$0x2] =	stream.indirect.gather [hbm4b:s3+s14], $0x20, s0, s14, $0xb8;
	[tilespmem:$0x16610] =	vst v63  }
0x103: {  	v40 =	vmov s1;
	v35 =	vshll.u32 v35, v1;
	v42 =	vmov s15;
	_ =	swait.ge [sflag:s24], $0x4000  }
0x104: {  	v46 =	vshrl.u32 v38, $0x3;
	v38 =	vshrl.u32 v39, $0x3;
	v63 =	vbroadcast v35, $0x0;
	[sflag:s24] =	ssyncset.done $0x0  }
0x105: {  	s31 =	simm.s32 $0x6480;
	v36 =	vshll.u32 v36, v1;
	v45 =	vshll.u32 v45, v1;
	v41 =	vshrl.u32 v40, $0x3;
	[sflag:s24] =	ssyncadd.s32 $0xFFFFC000  }
0x106: {  	v39 =	vshrl.u32 v42, $0x3;
	v43 =	vbroadcast v36, $0x0;
	v40 =	vadd.s32 v0, v63;
	v35 =	vld [tilespmem:s31+$0xFFFFFF80]  }
0x107: {  	v42 =	vshrl.u32 v44, $0x3;
	v44 =	vshll.u32 v46, v1;
	s0 =	simm.s32 $0x8;
	v37 =	vadd.s32 v2, v63;
	v36 =	vld [tilespmem:s31+$0xFFFFFF90]  }
.LBB2_19:
0x108: {  	p0 =	slt.u32 s0, $0x1F8;
	v46 =	vld [tilespmem:s31+$0xFFFFFFA0];
	v47 =	vadd.s32 v3, v43;
	v45 =	vbroadcast v45, $0x0;
	v38 =	vshll.u32 v38, v1  }
0x109: {  	v43 =	vadd.s32 v4, v43;
	v44 =	vbroadcast v44, $0x0;
	v41 =	vshll.u32 v41, v1;
	v48 =	vld [tilespmem:s31+$0xFFFFFFB0]  }
0x10a: {  	v39 =	vshll.u32 v39, v1;
	v42 =	vshll.u32 v42, v1;
	v49 =	vld [tilespmem:s31+$0xFFFFFFC0];
	v50 =	vadd.s32 v5, v45  }
0x10b: {  	v38 =	vbroadcast v38, $0x0;
	v45 =	vadd.s32 v6, v45;
	v51 =	vadd.s32 v7, v44;
	[tilespmem:v40+s20+$0x0] =	vst.idx.msk $0xffff, v35;
	v40 =	vld [tilespmem:s31+$0xFFFFFFD0]  }
0x10c: {  	v33 =	vadd.f32 v35, v33;
	[tilespmem:v37+s20+$0x0] =	vst.idx.msk $0xffff, v36;
	v34 =	vadd.f32 v36, v34;
	v35 =	vld [tilespmem:s31+$0xFFFFFFE0]  }
0x10d: {  	v41 =	vbroadcast v41, $0x0;
	v37 =	vadd.s32 v8, v44;
	v44 =	vadd.s32 v9, v38;
	[tilespmem:v47+s20+$0x0] =	vst.idx.msk $0xffff, v46;
	v36 =	vld [tilespmem:s31+$0xFFFFFFF0]  }
0x10e: {  	v33 =	vadd.f32 v46, v33;
	[tilespmem:v43+s20+$0x0] =	vst.idx.msk $0xffff, v48;
	v34 =	vadd.f32 v48, v34;
	v43 =	vld [tilespmem:s31+$0x0]  }
0x10f: {  	v39 =	vbroadcast v39, $0x0;
	v38 =	vadd.s32 v10, v38;
	v47 =	vadd.s32 v11, v41;
	[tilespmem:v50+s20+$0x0] =	vst.idx.msk $0xffff, v49;
	v46 =	vld [tilespmem:s31+$0x10]  }
0x110: {  	v48 =	vmov s0;
	v33 =	vadd.f32 v49, v33;
	[tilespmem:v45+s20+$0x0] =	vst.idx.msk $0xffff, v40;
	v34 =	vadd.f32 v40, v34;
	v40 =	vld [tilespmem:s31+$0x20]  }
0x111: {  	v42 =	vbroadcast v42, $0x0;
	v41 =	vadd.s32 v12, v41;
	v49 =	vadd.s32 v13, v39;
	[tilespmem:v51+s20+$0x0] =	vst.idx.msk $0xffff, v35;
	v45 =	vld [tilespmem:s31+$0x30]  }
0x112: {  	s1 =	sadd.s32 $0x1, s0;
	v48 =	vshrl.u32 v48, $0x3;
	v33 =	vadd.f32 v35, v33;
	[tilespmem:v37+s20+$0x0] =	vst.idx.msk $0xffff, v36;
	v34 =	vadd.f32 v36, v34;
	v35 =	vld [tilespmem:s31+$0x40]  }
0x113: {  	v39 =	vadd.s32 v14, v39;
	v36 =	vmov s1;
	s1 =	sadd.s32 $0x2, s0;
	[tilespmem:v44+s20+$0x0] =	vst.idx.msk $0xffff, v43;
	v37 =	vld [tilespmem:s31+$0x50];
	v44 =	vadd.s32 v15, v42  }
0x114: {  	s15 =	sadd.s32 $0x4, s0;
	v50 =	vmov s1;
	s1 =	sadd.s32 $0x3, s0;
	v33 =	vadd.f32 v43, v33;
	[tilespmem:v38+s20+$0x0] =	vst.idx.msk $0xffff, v46;
	v34 =	vadd.f32 v46, v34;
	v43 =	vld [tilespmem:s31+$0x60]  }
0x115: {  	v42 =	vadd.s32 v16, v42;
	v38 =	vmov s1;
	v46 =	vmov s15;
	s1 =	sadd.s32 $0x5, s0;
	[tilespmem:v47+s20+$0x0] =	vst.idx.msk $0xffff, v40;
	v47 =	vld [tilespmem:s31+$0x70]  }
0x116: {  	s15 =	sadd.s32 $0x7, s0;
	v51 =	vmov s1;
	s1 =	sadd.s32 $0x6, s0;
	v33 =	vadd.f32 v40, v33;
	[tilespmem:v41+s20+$0x0] =	vst.idx.msk $0xffff, v45;
	v34 =	vadd.f32 v45, v34  }
0x117: {  	v40 =	vshll.u32 v48, v1;
	v48 =	vmov s15;
	v45 =	vmov s1;
	[tilespmem:v49+s20+$0x0] =	vst.idx.msk $0xffff, v35  }
0x118: {  	v36 =	vshrl.u32 v36, $0x3;
	v33 =	vadd.f32 v35, v33;
	[tilespmem:v39+s20+$0x0] =	vst.idx.msk $0xffff, v37;
	v34 =	vadd.f32 v37, v34  }
.Ltmp8:
0x119: {  	v49 =	vshrl.u32 v50, $0x3;
	v50 =	vshrl.u32 v38, $0x3;
	v38 =	vshrl.u32 v46, $0x3;
	[tilespmem:v44+s20+$0x0] =	vst.idx.msk $0xffff, v43;
	(pc) =	sbr.rel @p0 .LBB2_19-.Ltmp8, $4  }
0x11a: {  	v37 =	vbroadcast v40, $0x0;
	v33 =	vadd.f32 v43, v33;
	[tilespmem:v42+s20+$0x0] =	vst.idx.msk $0xffff, v47;
	v34 =	vadd.f32 v47, v34  }
0x11b: {  	v36 =	vshll.u32 v36, v1;
	s31 =	sadd.s32 $0x100, s31;
	v41 =	vshrl.u32 v51, $0x3;
	v39 =	vshrl.u32 v45, $0x3  }
0x11c: {  	v43 =	vbroadcast v36, $0x0;
	v40 =	vadd.s32 v0, v37;
	v42 =	vshrl.u32 v48, $0x3;
	v35 =	vld [tilespmem:s31+$0xFFFFFF80]  }
0x11d: {  	s0 =	sadd.s32 $0x8, s0;
	v45 =	vshll.u32 v49, v1;
	v44 =	vshll.u32 v50, v1;
	v37 =	vadd.s32 v2, v37;
	v36 =	vld [tilespmem:s31+$0xFFFFFF90]  }
0x11e: {  	_ = 	snop  }
0x11f: {  	v46 =	vld [tilespmem:s31+$0xFFFFFFA0];
	v47 =	vadd.s32 v3, v43;
	v45 =	vbroadcast v45, $0x0  }
0x120: {  	v48 =	vld [tilespmem:s31+$0xFFFFFFB0];
	v58 =	vadd.s32 v4, v43;
	v44 =	vbroadcast v44, $0x0  }
0x121: {  	v38 =	vshll.u32 v38, v1;
	v41 =	vshll.u32 v41, v1;
	v49 =	vld [tilespmem:s31+$0xFFFFFFC0];
	v50 =	vadd.s32 v5, v45  }
0x122: {  	v39 =	vshll.u32 v39, v1;
	v60 =	vld [tilespmem:s31+$0xFFFFFFE0];
	v38 =	vbroadcast v38, $0x0;
	v51 =	vadd.s32 v7, v44;
	[tilespmem:v40+s20+$0x0] =	vst.idx.msk $0xffff, v35  }
0x123: {  	v59 =	vld [tilespmem:s31+$0xFFFFFFD0];
	v41 =	vbroadcast v41, $0x0;
	v45 =	vadd.s32 v6, v45;
	v62 =	vadd.s32 v8, v44;
	[tilespmem:v37+s20+$0x0] =	vst.idx.msk $0xffff, v36  }
0x124: {  	v61 =	vld [tilespmem:s31+$0xFFFFFFF0];
	v33 =	vadd.f32 v35, v33;
	v34 =	vadd.f32 v36, v34;
	[tilespmem:v47+s20+$0x0] =	vst.idx.msk $0xffff, v46  }
0x125: {  	v52 =	vld [tilespmem:s31+$0x0];
	v63 =	vadd.s32 v9, v38;
	v54 =	vadd.s32 v11, v41;
	[tilespmem:v58+s20+$0x0] =	vst.idx.msk $0xffff, v48  }
0x126: {  	v55 =	vld [tilespmem:s31+$0x20];
	v33 =	vadd.f32 v46, v33;
	v34 =	vadd.f32 v48, v34;
	[tilespmem:v50+s20+$0x0] =	vst.idx.msk $0xffff, v49  }
0x127: {  	v42 =	vshll.u32 v42, v1;
	v53 =	vld [tilespmem:s31+$0x10];
	v39 =	vbroadcast v39, $0x0;
	v38 =	vadd.s32 v10, v38;
	[tilespmem:v51+s20+$0x0] =	vst.idx.msk $0xffff, v60  }
0x128: {  	v33 =	vadd.f32 v49, v33;
	[tilespmem:v45+s20+$0x0] =	vst.idx.msk $0xffff, v59;
	v34 =	vadd.f32 v59, v34  }
0x129: {  	v56 =	vld [tilespmem:s31+$0x30];
	v41 =	vadd.s32 v12, v41;
	v57 =	vadd.s32 v13, v39;
	[tilespmem:v62+s20+$0x0] =	vst.idx.msk $0xffff, v61  }
0x12a: {  	v42 =	vbroadcast v42, $0x0;
	v58 =	vld [tilespmem:s31+$0x40];
	[tilespmem:v63+s20+$0x0] =	vst.idx.msk $0xffff, v52;
	v33 =	vadd.f32 v60, v33;
	v34 =	vadd.f32 v61, v34  }
0x12b: {  	v59 =	vld [tilespmem:s31+$0x50];
	[tilespmem:v54+s20+$0x0] =	vst.idx.msk $0xffff, v55;
	v60 =	vadd.s32 v14, v39  }
0x12c: {  	v62 =	vld [tilespmem:s31+$0x60];
	v61 =	vadd.s32 v15, v42;
	v33 =	vadd.f32 v52, v33;
	v34 =	vadd.f32 v53, v34  }
0x12d: {  	v63 =	vld [tilespmem:s31+$0x70];
	[tilespmem:v38+s20+$0x0] =	vst.idx.msk $0xffff, v53;
	v42 =	vadd.s32 v16, v42  }
0x12e: {  	s0 =	sshll.u32 s30, $0x13;
	[tilespmem:v41+s20+$0x0] =	vst.idx.msk $0xffff, v56;
	v33 =	vadd.f32 v55, v33;
	v34 =	vadd.f32 v56, v34  }
0x12f: {  	s0 =	sor.u32 s5, s0;
	[tilespmem:v57+s20+$0x0] =	vst.idx.msk $0xffff, v58  }
0x130: {  	s0 =	sshrl.u32 s0, $0x3;
	[tilespmem:v60+s20+$0x0] =	vst.idx.msk $0xffff, v59;
	v33 =	vadd.f32 v58, v33;
	v34 =	vadd.f32 v59, v34  }
0x131: {  	s30 =	simm.s32 $0xE400;
	s0 =	sadd.s32 s4, s0;
	[tilespmem:v61+s20+$0x0] =	vst.idx.msk $0xffff, v62  }
0x132: {  	s1 =	simm.s32 $0x800;
	s15 =	simm.s32 $0xE608;
	s22 =	sadd.s32 $0x0, s0;
	[tilespmem:v42+s20+$0x0] =	vst.idx.msk $0xffff, v63;
	v33 =	vadd.f32 v62, v33;
	v34 =	vadd.f32 v63, v34  }
.LBB2_21:
0x133: {  	[hbm4b:s22+s2] =	stream.linear.scatter [tilespmem:s30], [sflag:$0x3], $0x200, $0x38;
	[tilespmem:$0x16610] =	vst v63  }
0x134: {  	s22 =	smov.u32 s1;
	s30 =	smov.u32 s15;
	p0 =	sne.s32 s1, $0xF800  }
.Ltmp9:
0x135: {  	s1 =	sadd.s32 $0x800, s1;
	(pc) =	sbr.rel @p0 .LBB2_21-.Ltmp9, $2  }
0x136: {  	_ =	sdelay $0x2  }
0x137: {  	s15 =	sadd.s32 $0x208, s15;
	s22 =	sadd.s32 s22, s0  }
0x138: {  	s29 =	sadd.s32 $0x1, s29  }
0x139: {  	p0 =	sne.s32 s29, $0x17  }
.Ltmp10:
0x13a: {  	_ = 	snop;
	(pc) =	sbr.rel @p0 .LBB2_14-.Ltmp10, $2  }
0x13b: {  	_ =	sdelay $0x2  }
0x13c: {  	[hbm4b:s22+s2] =	stream.linear.scatter [tilespmem:s30], [sflag:$0x3], $0x200, $0x38;
	[tilespmem:$0x16610] =	vst v63  }
0x13d: {  	s0 =	simm.s32 $0x0  }
0x13e: {  	_ =	swait.ge [sflag:s21], $0x4000;
	s30 =	simm.s32 $0x1;
	s31 =	simm.s32 $0x2  }
0x13f: {  	s1 =	simm.s32 $0x3;
	s15 =	simm.s32 $0x4;
	s22 =	simm.s32 $0x5;
	v35 =	vmov s0;
	v36 =	vmov s30;
	v37 =	vmov s31  }
0x140: {  	[sflag:s21] =	ssyncset.done $0x0;
	v38 =	vmov s1;
	v39 =	vmov s15;
	s30 =	simm.s32 $0x6;
	v40 =	vmov s22;
	s31 =	simm.s32 $0x7  }
0x141: {  	v35 =	vshrl.u32 v35, $0x3;
	[sflag:s21] =	ssyncadd.s32 $0xFFFFC000;
	v42 =	vmov s30;
	v44 =	vmov s31  }
0x142: {  	v36 =	vshrl.u32 v36, $0x3;
	v45 =	vshrl.u32 v37, $0x3;
	v35 =	vshll.u32 v35, v1;
	_ =	swait.ge [sflag:s25], $0x4000  }
0x143: {  	v46 =	vshrl.u32 v38, $0x3;
	v38 =	vshrl.u32 v39, $0x3;
	[sflag:s25] =	ssyncset.done $0x0;
	v63 =	vbroadcast v35, $0x0  }
0x144: {  	s29 =	simm.s32 $0xA4F0;
	v41 =	vshrl.u32 v40, $0x3;
	v36 =	vshll.u32 v36, v1;
	v39 =	vshrl.u32 v42, $0x3;
	[sflag:s25] =	ssyncadd.s32 $0xFFFFC000  }
0x145: {  	v42 =	vshrl.u32 v44, $0x3;
	v43 =	vbroadcast v36, $0x0;
	v35 =	vld [tilespmem:s29+$0xFFFFFF10];
	v40 =	vadd.s32 v17, v63  }
0x146: {  	s0 =	simm.s32 $0x8;
	v45 =	vshll.u32 v45, v1;
	v44 =	vshll.u32 v46, v1;
	v36 =	vld [tilespmem:s29+$0xFFFFFF20];
	v37 =	vadd.s32 v18, v63  }
.LBB2_24:
0x147: {  	p0 =	slt.u32 s0, $0x1F8;
	v46 =	vld [tilespmem:s29+$0xFFFFFF30];
	v47 =	vadd.s32 v19, v43;
	v45 =	vbroadcast v45, $0x0;
	v38 =	vshll.u32 v38, v1  }
0x148: {  	v43 =	vadd.s32 v20, v43;
	v44 =	vbroadcast v44, $0x0;
	v41 =	vshll.u32 v41, v1;
	v48 =	vld [tilespmem:s29+$0xFFFFFF40]  }
0x149: {  	v39 =	vshll.u32 v39, v1;
	v42 =	vshll.u32 v42, v1;
	v49 =	vld [tilespmem:s29+$0xFFFFFF50];
	v50 =	vadd.s32 v21, v45  }
0x14a: {  	v38 =	vbroadcast v38, $0x0;
	v45 =	vadd.s32 v22, v45;
	v51 =	vadd.s32 v23, v44;
	[tilespmem:v40+s20+$0x0] =	vst.idx.msk $0xffff, v35;
	v40 =	vld [tilespmem:s29+$0xFFFFFF60]  }
0x14b: {  	v33 =	vadd.f32 v35, v33;
	[tilespmem:v37+s20+$0x0] =	vst.idx.msk $0xffff, v36;
	v34 =	vadd.f32 v36, v34;
	v35 =	vld [tilespmem:s29+$0xFFFFFF70]  }
0x14c: {  	v41 =	vbroadcast v41, $0x0;
	v37 =	vadd.s32 v24, v44;
	v44 =	vadd.s32 v25, v38;
	[tilespmem:v47+s20+$0x0] =	vst.idx.msk $0xffff, v46;
	v36 =	vld [tilespmem:s29+$0xFFFFFF80]  }
0x14d: {  	v33 =	vadd.f32 v46, v33;
	[tilespmem:v43+s20+$0x0] =	vst.idx.msk $0xffff, v48;
	v34 =	vadd.f32 v48, v34;
	v43 =	vld [tilespmem:s29+$0xFFFFFF90]  }
0x14e: {  	v39 =	vbroadcast v39, $0x0;
	v38 =	vadd.s32 v26, v38;
	v47 =	vadd.s32 v27, v41;
	[tilespmem:v50+s20+$0x0] =	vst.idx.msk $0xffff, v49;
	v46 =	vld [tilespmem:s29+$0xFFFFFFA0]  }
0x14f: {  	v48 =	vmov s0;
	v33 =	vadd.f32 v49, v33;
	[tilespmem:v45+s20+$0x0] =	vst.idx.msk $0xffff, v40;
	v34 =	vadd.f32 v40, v34;
	v40 =	vld [tilespmem:s29+$0xFFFFFFB0]  }
0x150: {  	v42 =	vbroadcast v42, $0x0;
	v41 =	vadd.s32 v28, v41;
	v49 =	vadd.s32 v29, v39;
	[tilespmem:v51+s20+$0x0] =	vst.idx.msk $0xffff, v35;
	v45 =	vld [tilespmem:s29+$0xFFFFFFC0]  }
0x151: {  	s1 =	sadd.s32 $0x1, s0;
	v48 =	vshrl.u32 v48, $0x3;
	v33 =	vadd.f32 v35, v33;
	[tilespmem:v37+s20+$0x0] =	vst.idx.msk $0xffff, v36;
	v34 =	vadd.f32 v36, v34;
	v35 =	vld [tilespmem:s29+$0xFFFFFFD0]  }
0x152: {  	v39 =	vadd.s32 v30, v39;
	v36 =	vmov s1;
	s1 =	sadd.s32 $0x2, s0;
	[tilespmem:v44+s20+$0x0] =	vst.idx.msk $0xffff, v43;
	v37 =	vld [tilespmem:s29+$0xFFFFFFE0];
	v44 =	vadd.s32 v31, v42  }
0x153: {  	s15 =	sadd.s32 $0x4, s0;
	v50 =	vmov s1;
	s1 =	sadd.s32 $0x3, s0;
	v33 =	vadd.f32 v43, v33;
	[tilespmem:v38+s20+$0x0] =	vst.idx.msk $0xffff, v46;
	v34 =	vadd.f32 v46, v34;
	v43 =	vld [tilespmem:s29+$0xFFFFFFF0]  }
0x154: {  	v42 =	vadd.s32 v32, v42;
	v38 =	vmov s1;
	v46 =	vmov s15;
	s1 =	sadd.s32 $0x5, s0;
	[tilespmem:v47+s20+$0x0] =	vst.idx.msk $0xffff, v40;
	v47 =	vld [tilespmem:s29+$0x0]  }
0x155: {  	s15 =	sadd.s32 $0x7, s0;
	v51 =	vmov s1;
	s1 =	sadd.s32 $0x6, s0;
	v33 =	vadd.f32 v40, v33;
	[tilespmem:v41+s20+$0x0] =	vst.idx.msk $0xffff, v45;
	v34 =	vadd.f32 v45, v34  }
0x156: {  	v40 =	vshll.u32 v48, v1;
	v48 =	vmov s15;
	v45 =	vmov s1;
	[tilespmem:v49+s20+$0x0] =	vst.idx.msk $0xffff, v35  }
0x157: {  	v36 =	vshrl.u32 v36, $0x3;
	v33 =	vadd.f32 v35, v33;
	[tilespmem:v39+s20+$0x0] =	vst.idx.msk $0xffff, v37;
	v34 =	vadd.f32 v37, v34  }
.Ltmp11:
0x158: {  	v49 =	vshrl.u32 v50, $0x3;
	v50 =	vshrl.u32 v38, $0x3;
	v38 =	vshrl.u32 v46, $0x3;
	[tilespmem:v44+s20+$0x0] =	vst.idx.msk $0xffff, v43;
	(pc) =	sbr.rel @p0 .LBB2_24-.Ltmp11, $4  }
0x159: {  	v37 =	vbroadcast v40, $0x0;
	v33 =	vadd.f32 v43, v33;
	[tilespmem:v42+s20+$0x0] =	vst.idx.msk $0xffff, v47;
	v34 =	vadd.f32 v47, v34  }
0x15a: {  	v36 =	vshll.u32 v36, v1;
	s29 =	sadd.s32 $0x100, s29;
	v41 =	vshrl.u32 v51, $0x3;
	v39 =	vshrl.u32 v45, $0x3  }
0x15b: {  	v43 =	vbroadcast v36, $0x0;
	v40 =	vadd.s32 v17, v37;
	v42 =	vshrl.u32 v48, $0x3;
	v35 =	vld [tilespmem:s29+$0xFFFFFF10]  }
0x15c: {  	s0 =	sadd.s32 $0x8, s0;
	v45 =	vshll.u32 v49, v1;
	v44 =	vshll.u32 v50, v1;
	v37 =	vadd.s32 v18, v37;
	v36 =	vld [tilespmem:s29+$0xFFFFFF20]  }
0x15d: {  	_ = 	snop  }
0x15e: {  	v46 =	vld [tilespmem:s29+$0xFFFFFF30];
	v47 =	vadd.s32 v19, v43;
	v45 =	vbroadcast v45, $0x0  }
0x15f: {  	v48 =	vld [tilespmem:s29+$0xFFFFFF40];
	v58 =	vadd.s32 v20, v43;
	v44 =	vbroadcast v44, $0x0  }
0x160: {  	v38 =	vshll.u32 v38, v1;
	v41 =	vshll.u32 v41, v1;
	v49 =	vld [tilespmem:s29+$0xFFFFFF50];
	v50 =	vadd.s32 v21, v45  }
0x161: {  	v39 =	vshll.u32 v39, v1;
	v60 =	vld [tilespmem:s29+$0xFFFFFF70];
	v38 =	vbroadcast v38, $0x0;
	v51 =	vadd.s32 v23, v44;
	[tilespmem:v40+s20+$0x0] =	vst.idx.msk $0xffff, v35  }
0x162: {  	v59 =	vld [tilespmem:s29+$0xFFFFFF60];
	v41 =	vbroadcast v41, $0x0;
	v45 =	vadd.s32 v22, v45;
	v62 =	vadd.s32 v24, v44;
	[tilespmem:v37+s20+$0x0] =	vst.idx.msk $0xffff, v36  }
0x163: {  	v61 =	vld [tilespmem:s29+$0xFFFFFF80];
	v33 =	vadd.f32 v35, v33;
	v34 =	vadd.f32 v36, v34;
	[tilespmem:v47+s20+$0x0] =	vst.idx.msk $0xffff, v46  }
0x164: {  	v52 =	vld [tilespmem:s29+$0xFFFFFF90];
	v63 =	vadd.s32 v25, v38;
	v54 =	vadd.s32 v27, v41;
	[tilespmem:v58+s20+$0x0] =	vst.idx.msk $0xffff, v48  }
0x165: {  	v55 =	vld [tilespmem:s29+$0xFFFFFFB0];
	v33 =	vadd.f32 v46, v33;
	v34 =	vadd.f32 v48, v34;
	[tilespmem:v50+s20+$0x0] =	vst.idx.msk $0xffff, v49  }
0x166: {  	v42 =	vshll.u32 v42, v1;
	v53 =	vld [tilespmem:s29+$0xFFFFFFA0];
	v39 =	vbroadcast v39, $0x0;
	v38 =	vadd.s32 v26, v38;
	[tilespmem:v51+s20+$0x0] =	vst.idx.msk $0xffff, v60  }
0x167: {  	v33 =	vadd.f32 v49, v33;
	[tilespmem:v45+s20+$0x0] =	vst.idx.msk $0xffff, v59;
	v34 =	vadd.f32 v59, v34  }
0x168: {  	v56 =	vld [tilespmem:s29+$0xFFFFFFC0];
	v41 =	vadd.s32 v28, v41;
	v57 =	vadd.s32 v29, v39;
	[tilespmem:v62+s20+$0x0] =	vst.idx.msk $0xffff, v61  }
0x169: {  	v42 =	vbroadcast v42, $0x0;
	v58 =	vld [tilespmem:s29+$0xFFFFFFD0];
	[tilespmem:v63+s20+$0x0] =	vst.idx.msk $0xffff, v52;
	v33 =	vadd.f32 v60, v33;
	v34 =	vadd.f32 v61, v34  }
0x16a: {  	v59 =	vld [tilespmem:s29+$0xFFFFFFE0];
	[tilespmem:v54+s20+$0x0] =	vst.idx.msk $0xffff, v55;
	v60 =	vadd.s32 v30, v39  }
0x16b: {  	v62 =	vld [tilespmem:s29+$0xFFFFFFF0];
	v61 =	vadd.s32 v31, v42;
	v33 =	vadd.f32 v52, v33;
	v34 =	vadd.f32 v53, v34  }
0x16c: {  	v63 =	vld [tilespmem:s29+$0x0];
	[tilespmem:v38+s20+$0x0] =	vst.idx.msk $0xffff, v53;
	v42 =	vadd.s32 v32, v42  }
0x16d: {  	[tilespmem:v41+s20+$0x0] =	vst.idx.msk $0xffff, v56;
	v33 =	vadd.f32 v55, v33;
	v34 =	vadd.f32 v56, v34  }
0x16e: {  	[tilespmem:v57+s20+$0x0] =	vst.idx.msk $0xffff, v58  }
0x16f: {  	[tilespmem:v60+s20+$0x0] =	vst.idx.msk $0xffff, v59;
	v33 =	vadd.f32 v58, v33;
	v34 =	vadd.f32 v59, v34  }
0x170: {  	s0 =	simm.s32 $0x12500;
	[tilespmem:v61+s20+$0x0] =	vst.idx.msk $0xffff, v62  }
0x171: {  	s1 =	simm.s32 $0x800;
	s22 =	sadd.s32 $0x0, s11;
	s15 =	simm.s32 $0x12708;
	[tilespmem:v42+s20+$0x0] =	vst.idx.msk $0xffff, v63;
	v33 =	vadd.f32 v62, v33;
	v34 =	vadd.f32 v63, v34  }
.LBB2_26:
0x172: {  	[hbm4b:s22+s2] =	stream.linear.scatter [tilespmem:s0], [sflag:$0x4], $0x200, $0x38;
	[tilespmem:$0x16610] =	vst v63  }
0x173: {  	s22 =	smov.u32 s1;
	s0 =	smov.u32 s15;
	p0 =	sne.s32 s1, $0xF800  }
.Ltmp12:
0x174: {  	s1 =	sadd.s32 $0x800, s1;
	(pc) =	sbr.rel @p0 .LBB2_26-.Ltmp12, $2  }
0x175: {  	_ =	sdelay $0x2  }
0x176: {  	s15 =	sadd.s32 $0x208, s15;
	s22 =	sadd.s32 s22, s11  }
0x177: {  	[hbm4b:s22+s2] =	stream.linear.scatter [tilespmem:s0], [sflag:$0x4], $0x200, $0x38;
	[tilespmem:$0x16610] =	vst v63  }
0x178: {  	_ =	swait.ge [sflag:s24], $0x4000  }
0x179: {  	[sflag:s24] =	ssyncset.done $0x0  }
0x17a: {  	[sflag:s24] =	ssyncadd.s32 $0xFFFFC000  }
0x17b: {  	_ =	swait.ge [sflag:s25], $0x4000  }
0x17c: {  	v33 =	vadd.f32 v34, v33;
	s28 =	sadd.s32 $0x1, s28;
	[sflag:s25] =	ssyncset.done $0x0  }
0x17d: {  	p0 =	sne.s32 s28, s13;
	[sflag:s25] =	ssyncadd.s32 $0xFFFFC000  }
.Ltmp13:
0x17e: {  	[tilespmem:$0x16600] =	vst v33;
	(pc) =	sbr.rel @p0 .LBB2_1-.Ltmp13, $4  }
0x17f: {  	[hbm4b:s12+s2] =	stream.linear.scatter [tilespmem:s26], [sflag:$0x5], $0x10, $0x38;
	[tilespmem:$0x16610] =	vst v63  }
0x180: {  	_ =	swait.ge [sflag:s16], $0x10  }
0x181: {  	[sflag:s16] =	ssyncset.done $0x0  }
0x182: {  	[sflag:s16] =	ssyncadd.s32 $0xFFFFFFF0  }
0x183: {  	_ =	sfence.sel $0x180000  }
0x184: {  	[bflag:$0x0] =	sbarrier.arrive $0xFFFF  }
0x185: {  	_ =	strace $0x90000047  }
0x186: {  	s0 =	stileid.u32;
	[bflag:$0x2] =	sbarrier.arrive $0xFFFF  }
0x187: {  	p0 =	sne.s32 s0, $0x0;
	s0 =	rddreg [dreg:$0x2]  }
0x188: {  	s0 =	sadd.s32 @!p0 $0x100000, s0  }
0x189: {  	[sflag:s0] =	ssyncadd.tile.s32 @!p0 $0x1;
	_ =	shalt  }
.Lfunc_end2:
_tile_overlayer_lowered:
.L_overlay_start_2:
0x18a: {  	(tag) =	ssettag $0x2  }
0x18b: {  	s0 =	rddreg [dreg:$0x0];
	s2 =	stileid.u32  }
0x18c: {  	s1 =	rddreg [dreg:$0x1];
	p0 =	sne.s32 s2, $0x0  }
0x18d: {  	s3 =	rddreg [dreg:$0x2];
	[bflag:$0x3] =	sbarrier.arrive $0xFFFF;
	s2 =	simm.s32 @!p0 $0x1C05  }
0x18e: {  	[timem:s3], [sflag:s2] =	dma.local @!p0 [hbm:s0], s1  }
0x18f: {  	s0 =	simm.s32 @!p0 $0x5  }
0x190: {  	_ =	swait.ge @!p0 [sflag:s0], s1  }
0x191: {  	s1 =	ssub.s32 @!p0 $0x0, s1;
	[sflag:s0] =	ssyncset.done @!p0 $0x0  }
0x192: {  	[sflag:s0] =	ssyncadd.s32 @!p0 s1  }
0x193: {  	[bflag:$0x3] =	sbarrier.arrive $0xFFFF  }
0x194: {  	_ =	shalt  }

</sc_bundles>
